<compile_context>
chip_gen: v7x
topology: tpu7x:2x2x1
jax: 0.10.2.dev20260603
libtpu: 0.0.44.dev20260713+nightly
codegen_flags: <defaults>
</compile_context>

<pallas_src>
import functools

import jax
import jax.numpy as jnp
from jax import lax
from jax.experimental import pallas as pl
from jax.experimental.pallas import tpu as pltpu
from jax.experimental.pallas import tpu_sc as plsc

_RATIO = 0.75
_LANES = 16


@functools.cache
def _build_sc_call(T, B, C, remain_T):
    info = plsc.get_sparse_core_info()
    num_workers = info.num_cores * info.num_subcores
    N = remain_T * B
    chunk = 64
    nbuf = 3
    rows_bwd_w = 320
    rows_big_w = (N - B * rows_bwd_w) // (num_workers - B)

    assert B == _LANES and num_workers == 2 * B
    assert rows_bwd_w % chunk == 0 and rows_big_w % chunk == 0
    assert B * rows_bwd_w + (num_workers - B) * rows_big_w == N
    assert T % _LANES == 0 and remain_T % _LANES == 0
    max_rows_w = max(rows_bwd_w, rows_big_w)

    mesh = plsc.VectorSubcoreMesh(core_axis_name="c", subcore_axis_name="s")

    @functools.partial(
        pl.kernel,
        mesh=mesh,
        compiler_params=pltpu.CompilerParams(needs_layout_passes=False),
        out_type=[
            jax.ShapeDtypeStruct((N, C), jnp.float32),
            jax.ShapeDtypeStruct((B, remain_T), jnp.int32),
        ],
        scratch_types=[
            pltpu.VMEM((max_rows_w,), jnp.int32),
            pltpu.VMEM((max_rows_w,), jnp.int32),
            [pltpu.VMEM((chunk, C), jnp.float32) for _ in range(nbuf)],
            pltpu.VMEM((T,), jnp.int32),
            pltpu.VMEM((remain_T,), jnp.int32),
            pltpu.VMEM((remain_T,), jnp.int32),
            [pltpu.SemaphoreType.DMA for _ in range(nbuf)],
            [pltpu.SemaphoreType.DMA for _ in range(nbuf)],
        ],
    )
    def shuffle(patches_hbm, sel_flat_hbm, selT_hbm, out_hbm, bwdT_hbm,
                sel_v, idx_v, bufs, pos_v, col_v, bwd_v, gsems, osems):
        wid = lax.axis_index("s") * info.num_cores + lax.axis_index("c")
        lane = lax.iota(jnp.int32, _LANES)

        def gather_rows(base, nrows):
            pltpu.sync_copy(sel_flat_hbm.at[pl.ds(base, nrows)], sel_v.at[pl.ds(0, nrows)])

            def mk_idx(j, carry):
                s = sel_v[pl.ds(j * _LANES, _LANES)]
                idx_v[pl.ds(j * _LANES, _LANES)] = s * B + lane
                return carry
            lax.fori_loop(0, nrows // _LANES, mk_idx, 0)

            n_chunks = nrows // chunk

            def start_gather(k):
                return pltpu.async_copy(
                    patches_hbm.at[idx_v.at[pl.ds(k * chunk, chunk)]],
                    bufs[k % nbuf], gsems[k % nbuf])

            def start_put(k):
                return pltpu.async_copy(
                    bufs[k % nbuf], out_hbm.at[pl.ds(base + k * chunk, chunk)],
                    osems[k % nbuf])

            gets = [None] * n_chunks
            puts = [None] * n_chunks
            for k in range(min(nbuf, n_chunks)):
                gets[k] = start_gather(k)
            for k in range(n_chunks):
                gets[k].wait()
                puts[k] = start_put(k)
                if k >= 1 and k - 1 + nbuf < n_chunks:
                    puts[k - 1].wait()
                    puts[k - 1] = None
                    gets[k - 1 + nbuf] = start_gather(k - 1 + nbuf)
            for p in puts:
                if p is not None:
                    p.wait()

        @pl.when(wid >= B)
        def _big():
            gather_rows(B * rows_bwd_w + (wid - B) * rows_big_w, rows_big_w)

        SEG = T // _LANES

        @pl.when(wid < B)
        def _small_and_backward():
            gather_rows(wid * rows_bwd_w, rows_bwd_w)
            pltpu.sync_copy(selT_hbm.at[wid], col_v)

            def init(c, carry):
                pos_v[pl.ds(c * _LANES, _LANES)] = jnp.full(
                    (_LANES,), -1, jnp.int32)
                return carry
            lax.fori_loop(0, T // _LANES, init, 0)

            def scatter_pos(c, carry):
                vals = col_v[pl.ds(c * _LANES, _LANES)]
                slot = (vals & (SEG - 1)) * _LANES + (vals // SEG)
                plsc.store_scatter(pos_v, [slot], c * _LANES + lane)
                return carry
            lax.fori_loop(0, remain_T // _LANES, scatter_pos, 0)

            def count(j, pc):
                pv = pos_v[pl.ds(j * _LANES, _LANES)]
                return pc + (pv >= 0).astype(jnp.int32)
            pc = lax.fori_loop(0, SEG, count,
                               jnp.zeros((_LANES,), jnp.int32))
            base = plsc.cumsum(pc) - pc

            def emit(j, b):
                pv = pos_v[pl.ds(j * _LANES, _LANES)]
                present = pv >= 0
                plsc.store_scatter(bwd_v, [b], pv, mask=present)
                return b + present.astype(jnp.int32)
            lax.fori_loop(0, SEG, emit, base)

            pltpu.sync_copy(bwd_v, bwdT_hbm.at[wid])

    return shuffle


def kernel(patches, forward_indexes):
    T, B, C = patches.shape
    remain_T = int(T * (1 - _RATIO))
    sel = forward_indexes[:remain_T]
    call = _build_sc_call(T, B, C, remain_T)
    out_flat, bwdT = call(
        patches.reshape(T * B, C),
        sel.reshape(remain_T * B),
        sel.T,
    )
    return out_flat.reshape(remain_T, B, C), sel, bwdT.T

# --- scband reference (transcript-rebuilt; emitter-appended) ---
"""Pipeline reference for scband-patch-shuffle-91225105367199 (READ-ONLY COPY).

The authoritative reference and input builder live on the scoring server;
editing this copy changes nothing except your own understanding.
"""

import jax, jax.numpy as jnp
import numpy as np

T, B, C = 4096, 16, 512
RATIO = 0.75


def setup_inputs(seed: int = 0) -> dict:
    key = jax.random.key(seed)
    patches = jax.random.normal(key, (T, B, C), dtype=jnp.float32)
    # Per-batch random permutations (the torch module generates these internally
    # with torch.randperm; here we materialize them deterministically).
    rng = np.random.RandomState(0)
    fwd_idx = np.stack([rng.permutation(T) for _ in range(B)], axis=-1)  # [T, B]
    forward_indexes = jnp.asarray(fwd_idx, dtype=jnp.int32)
    return {"patches": patches, "forward_indexes": forward_indexes}


def reference(patches, forward_indexes):
    T_, B_, C_ = patches.shape
    remain_T = int(T_ * (1 - RATIO))
    selected_forward_indexes = forward_indexes[:remain_T]                 # [remain_T, B]
    selected_backward_indexes = jnp.argsort(selected_forward_indexes, axis=0)
    # take_indexes: gather along time axis, broadcasting index over channel dim
    gathered = jnp.take_along_axis(patches, selected_forward_indexes[:, :, None], axis=0)
    return (gathered, selected_forward_indexes, selected_backward_indexes)

if __name__ == "__main__":
    import jax
    _d = setup_inputs()
    print(jax.jit(kernel)(*tuple(_d.values())))

</pallas_src>

<mosaic_0001>
#map = affine_map<(d0, d1) -> (0, 0)>
#map1 = affine_map<(d0, d1) -> (0)>
module attributes {stable_mosaic.version = 14 : i64} {
  func.func @shuffle(%arg0: i32, %arg1: i32, %arg2: memref<65536x512xf32, #tpu.memory_space<hbm>>, %arg3: memref<16384xi32, #tpu.memory_space<hbm>>, %arg4: memref<16x1024xi32, #tpu.memory_space<hbm>>, %arg5: memref<16384x512xf32, #tpu.memory_space<hbm>>, %arg6: memref<16x1024xi32, #tpu.memory_space<hbm>>, %arg7: memref<704xi32, #tpu.memory_space<vmem>>, %arg8: memref<704xi32, #tpu.memory_space<vmem>>, %arg9: memref<64x512xf32, #tpu.memory_space<vmem>>, %arg10: memref<64x512xf32, #tpu.memory_space<vmem>>, %arg11: memref<64x512xf32, #tpu.memory_space<vmem>>, %arg12: memref<4096xi32, #tpu.memory_space<vmem>>, %arg13: memref<1024xi32, #tpu.memory_space<vmem>>, %arg14: memref<1024xi32, #tpu.memory_space<vmem>>, %arg15: memref<!tpu.dma_semaphore, #tpu.memory_space<semaphore_mem>>, %arg16: memref<!tpu.dma_semaphore, #tpu.memory_space<semaphore_mem>>, %arg17: memref<!tpu.dma_semaphore, #tpu.memory_space<semaphore_mem>>, %arg18: memref<!tpu.dma_semaphore, #tpu.memory_space<semaphore_mem>>, %arg19: memref<!tpu.dma_semaphore, #tpu.memory_space<semaphore_mem>>, %arg20: memref<!tpu.dma_semaphore, #tpu.memory_space<semaphore_mem>>) attributes {dimension_semantics = [#tpu.dimension_semantics<core_parallel>, #tpu.dimension_semantics<subcore_parallel>], iteration_bounds = array<i64: 2, 16>, scalar_prefetch = 0 : i64, scratch_operands = 14 : i64, tpu.core_type = #tpu.core_type<sc_vector_subcore>, window_params = [{transform_indices = #map}, {transform_indices = #map1}, {transform_indices = #map}, {transform_indices = #map}, {transform_indices = #map}]} {
    %mul3A = arith.constant 2 : i32
    %mul3A_0 = arith.muli %arg1, %mul3A : i32
    %add3A = arith.addi %mul3A_0, %arg0 : i32
    %iota3A = tpu.iota {dimensions = array<i32: 0>} : vector<16xi32>
    %ge3A = arith.constant 16 : i32
    %ge3A_1 = arith.cmpi sge, %add3A, %ge3A : i32
    %convert_element_type3A = arith.extui %ge3A_1 : i1 to i32
    %cond3A = arith.constant 0 : i32
    %cond3A_2 = arith.cmpi ne, %convert_element_type3A, %cond3A : i32
    scf.if %cond3A_2 {
      %sub3A = arith.constant 16 : i32
      %sub3A_7 = arith.subi %add3A, %sub3A : i32
      %mul3A_8 = arith.constant 704 : i32
      %mul3A_9 = arith.muli %sub3A_7, %mul3A_8 : i32
      %add3A_10 = arith.constant 5120 : i32
      %add3A_11 = arith.addi %add3A_10, %mul3A_9 : i32
      "tpu.region"() ({
        %run_scoped3A = tpu.sem_alloc : memref<!tpu.dma_semaphore, #tpu.memory_space<semaphore_mem>>
        %dma_start3A_235 = arith.constant 0 : i32
        %dma_start3A_236 = tpu.memref_slice %arg7[%dma_start3A_235] : memref<704xi32, #tpu.memory_space<vmem>> -> memref<704xi32, #tpu.memory_space<vmem>>
        %dma_start3A_237 = tpu.memref_slice %arg3[%add3A_11] : memref<16384xi32, #tpu.memory_space<hbm>> -> memref<704xi32, #tpu.memory_space<hbm>>
        %dma_start3A_238 = arith.constant 0 : i32
        %dma_start3A_239 = tpu.memref_slice %arg7[%dma_start3A_238] : memref<704xi32, #tpu.memory_space<vmem>> -> memref<704xi32, #tpu.memory_space<vmem>>
        %dma_start3A_240 = tpu.memref_slice %arg3[%add3A_11] : memref<16384xi32, #tpu.memory_space<hbm>> -> memref<704xi32, #tpu.memory_space<hbm>>
        tpu.enqueue_dma source(%dma_start3A_240 : memref<704xi32, #tpu.memory_space<hbm>>) target(%dma_start3A_239 : memref<704xi32, #tpu.memory_space<vmem>>) target_semaphore(%run_scoped3A : memref<!tpu.dma_semaphore, #tpu.memory_space<semaphore_mem>>)
        %dma_wait3A_241 = arith.constant 0 : i32
        %dma_wait3A_242 = tpu.memref_slice %arg7[%dma_wait3A_241] : memref<704xi32, #tpu.memory_space<vmem>> -> memref<704xi32, #tpu.memory_space<vmem>>
        %dma_wait3A_243 = tpu.memref_slice %arg3[%add3A_11] : memref<16384xi32, #tpu.memory_space<hbm>> -> memref<704xi32, #tpu.memory_space<hbm>>
        %dma_wait3A_244 = arith.constant 0 : i32
        %dma_wait3A_245 = tpu.memref_slice %arg7[%dma_wait3A_244] : memref<704xi32, #tpu.memory_space<vmem>> -> memref<704xi32, #tpu.memory_space<vmem>>
        %dma_wait3A_246 = tpu.memref_slice %arg3[%add3A_11] : memref<16384xi32, #tpu.memory_space<hbm>> -> memref<704xi32, #tpu.memory_space<hbm>>
        tpu.wait_dma2 semaphore(%run_scoped3A : memref<!tpu.dma_semaphore, #tpu.memory_space<semaphore_mem>>) src(%dma_wait3A_246 : memref<704xi32, #tpu.memory_space<hbm>>) dst(%dma_wait3A_245 : memref<704xi32, #tpu.memory_space<vmem>>)
        tpu.yield
      }) : () -> ()
      %scan3A = arith.constant 0 : i32
      %scan3A_12 = arith.constant 0 : i32
      %scan3A_13 = arith.constant 44 : i32
      %scan3A_14 = arith.addi %scan3A_12, %scan3A_13 : i32
      %scan3A_15 = arith.constant 1 : i32
      scf.for %scan3A_235 = %scan3A_12 to %scan3A_14 step %scan3A_15  : i32 {
        %mul3A_236 = arith.constant 16 : i32
        %mul3A_237 = arith.muli %scan3A_235, %mul3A_236 : i32
        %get3A = arith.index_cast %mul3A_237 : i32 to index
        %get3A_238 = tpu.vector_load %arg7[%get3A] {strides = array<i32>} : memref<704xi32, #tpu.memory_space<vmem>>, vector<16xi32>,
        %mul3A_239 = arith.constant 16 : i32
        %mul3A_240 = vector.broadcast %mul3A_239 : i32 to vector<16xi32>
        %mul3A_241 = arith.muli %get3A_238, %mul3A_240 : vector<16xi32>
        %add3A_242 = arith.addi %mul3A_241, %iota3A : vector<16xi32>
        %mul3A_243 = arith.constant 16 : i32
        %mul3A_244 = arith.muli %scan3A_235, %mul3A_243 : i32
        %swap3A = arith.index_cast %mul3A_244 : i32 to index
        %swap3A_245 = tpu.vector_load %arg8[%swap3A] {strides = array<i32>} : memref<704xi32, #tpu.memory_space<vmem>>, vector<16xi32>,
        tpu.vector_store %arg8[%swap3A], %add3A_242 {strides = array<i32>} : memref<704xi32, #tpu.memory_space<vmem>>, vector<16xi32>,
      }
      %scan3A_16 = arith.constant 44 : i32
      %dma_start3A = arith.constant 0 : i32
      %dma_start3A_17 = tpu.memref_slice %arg8[%dma_start3A] : memref<704xi32, #tpu.memory_space<vmem>> -> memref<64xi32, #tpu.memory_space<vmem>>
      %dma_start3A_18 = arith.constant 0 : i32
      %dma_start3A_19 = arith.constant 0 : i32
      %dma_start3A_20 = tpu.memref_slice %arg2[%dma_start3A_18, %dma_start3A_19] : memref<65536x512xf32, #tpu.memory_space<hbm>> -> memref<65536x512xf32, #tpu.memory_space<hbm>>
      tpu.enqueue_indirect_dma source(%dma_start3A_20 : memref<65536x512xf32, #tpu.memory_space<hbm>>) target(%arg9 : memref<64x512xf32, #tpu.memory_space<vmem>>) offsets(%dma_start3A_17 : memref<64xi32, #tpu.memory_space<vmem>>) semaphore(%arg15 : memref<!tpu.dma_semaphore, #tpu.memory_space<semaphore_mem>>)
      %dma_start3A_21 = arith.constant 64 : i32
      %dma_start3A_22 = tpu.memref_slice %arg8[%dma_start3A_21] : memref<704xi32, #tpu.memory_space<vmem>> -> memref<64xi32, #tpu.memory_space<vmem>>
      %dma_start3A_23 = arith.constant 0 : i32
      %dma_start3A_24 = arith.constant 0 : i32
      %dma_start3A_25 = tpu.memref_slice %arg2[%dma_start3A_23, %dma_start3A_24] : memref<65536x512xf32, #tpu.memory_space<hbm>> -> memref<65536x512xf32, #tpu.memory_space<hbm>>
      tpu.enqueue_indirect_dma source(%dma_start3A_25 : memref<65536x512xf32, #tpu.memory_space<hbm>>) target(%arg10 : memref<64x512xf32, #tpu.memory_space<vmem>>) offsets(%dma_start3A_22 : memref<64xi32, #tpu.memory_space<vmem>>) semaphore(%arg16 : memref<!tpu.dma_semaphore, #tpu.memory_space<semaphore_mem>>)
      %dma_start3A_26 = arith.constant 128 : i32
      %dma_start3A_27 = tpu.memref_slice %arg8[%dma_start3A_26] : memref<704xi32, #tpu.memory_space<vmem>> -> memref<64xi32, #tpu.memory_space<vmem>>
      %dma_start3A_28 = arith.constant 0 : i32
      %dma_start3A_29 = arith.constant 0 : i32
      %dma_start3A_30 = tpu.memref_slice %arg2[%dma_start3A_28, %dma_start3A_29] : memref<65536x512xf32, #tpu.memory_space<hbm>> -> memref<65536x512xf32, #tpu.memory_space<hbm>>
      tpu.enqueue_indirect_dma source(%dma_start3A_30 : memref<65536x512xf32, #tpu.memory_space<hbm>>) target(%arg11 : memref<64x512xf32, #tpu.memory_space<vmem>>) offsets(%dma_start3A_27 : memref<64xi32, #tpu.memory_space<vmem>>) semaphore(%arg17 : memref<!tpu.dma_semaphore, #tpu.memory_space<semaphore_mem>>)
      %dma_wait3A = arith.constant 0 : i32
      %dma_wait3A_31 = tpu.memref_slice %arg8[%dma_wait3A] : memref<704xi32, #tpu.memory_space<vmem>> -> memref<64xi32, #tpu.memory_space<vmem>>
      %dma_wait3A_32 = arith.constant 0 : i32
      %dma_wait3A_33 = arith.constant 0 : i32
      %dma_wait3A_34 = tpu.memref_slice %arg2[%dma_wait3A_32, %dma_wait3A_33] : memref<65536x512xf32, #tpu.memory_space<hbm>> -> memref<65536x512xf32, #tpu.memory_space<hbm>>
      tpu.wait_indirect_dma semaphore(%arg15 : memref<!tpu.dma_semaphore, #tpu.memory_space<semaphore_mem>>) src(%dma_wait3A_34 : memref<65536x512xf32, #tpu.memory_space<hbm>>) dst(%arg9 : memref<64x512xf32, #tpu.memory_space<vmem>>)
      %add3A_35 = arith.constant 0 : i32
      %add3A_36 = arith.addi %add3A_11, %add3A_35 : i32
      %dma_start3A_37 = arith.constant 0 : i32
      %dma_start3A_38 = tpu.memref_slice %arg5[%add3A_36, %dma_start3A_37] : memref<16384x512xf32, #tpu.memory_space<hbm>> -> memref<64x512xf32, #tpu.memory_space<hbm>>
      %dma_start3A_39 = arith.constant 0 : i32
      %dma_start3A_40 = tpu.memref_slice %arg5[%add3A_36, %dma_start3A_39] : memref<16384x512xf32, #tpu.memory_space<hbm>> -> memref<64x512xf32, #tpu.memory_space<hbm>>
      tpu.enqueue_dma source(%arg9 : memref<64x512xf32, #tpu.memory_space<vmem>>) target(%dma_start3A_40 : memref<64x512xf32, #tpu.memory_space<hbm>>) target_semaphore(%arg18 : memref<!tpu.dma_semaphore, #tpu.memory_space<semaphore_mem>>)
      %dma_wait3A_41 = arith.constant 64 : i32
      %dma_wait3A_42 = tpu.memref_slice %arg8[%dma_wait3A_41] : memref<704xi32, #tpu.memory_space<vmem>> -> memref<64xi32, #tpu.memory_space<vmem>>
      %dma_wait3A_43 = arith.constant 0 : i32
      %dma_wait3A_44 = arith.constant 0 : i32
      %dma_wait3A_45 = tpu.memref_slice %arg2[%dma_wait3A_43, %dma_wait3A_44] : memref<65536x512xf32, #tpu.memory_space<hbm>> -> memref<65536x512xf32, #tpu.memory_space<hbm>>
      tpu.wait_indirect_dma semaphore(%arg16 : memref<!tpu.dma_semaphore, #tpu.memory_space<semaphore_mem>>) src(%dma_wait3A_45 : memref<65536x512xf32, #tpu.memory_space<hbm>>) dst(%arg10 : memref<64x512xf32, #tpu.memory_space<vmem>>)
      %add3A_46 = arith.constant 64 : i32
      %add3A_47 = arith.addi %add3A_11, %add3A_46 : i32
      %dma_start3A_48 = arith.constant 0 : i32
      %dma_start3A_49 = tpu.memref_slice %arg5[%add3A_47, %dma_start3A_48] : memref<16384x512xf32, #tpu.memory_space<hbm>> -> memref<64x512xf32, #tpu.memory_space<hbm>>
      %dma_start3A_50 = arith.constant 0 : i32
      %dma_start3A_51 = tpu.memref_slice %arg5[%add3A_47, %dma_start3A_50] : memref<16384x512xf32, #tpu.memory_space<hbm>> -> memref<64x512xf32, #tpu.memory_space<hbm>>
      tpu.enqueue_dma source(%arg10 : memref<64x512xf32, #tpu.memory_space<vmem>>) target(%dma_start3A_51 : memref<64x512xf32, #tpu.memory_space<hbm>>) target_semaphore(%arg19 : memref<!tpu.dma_semaphore, #tpu.memory_space<semaphore_mem>>)
      %dma_wait3A_52 = arith.constant 0 : i32
      %dma_wait3A_53 = tpu.memref_slice %arg5[%add3A_36, %dma_wait3A_52] : memref<16384x512xf32, #tpu.memory_space<hbm>> -> memref<64x512xf32, #tpu.memory_space<hbm>>
      %dma_wait3A_54 = arith.constant 0 : i32
      %dma_wait3A_55 = tpu.memref_slice %arg5[%add3A_36, %dma_wait3A_54] : memref<16384x512xf32, #tpu.memory_space<hbm>> -> memref<64x512xf32, #tpu.memory_space<hbm>>
      tpu.wait_dma2 semaphore(%arg18 : memref<!tpu.dma_semaphore, #tpu.memory_space<semaphore_mem>>) src(%arg9 : memref<64x512xf32, #tpu.memory_space<vmem>>) dst(%dma_wait3A_55 : memref<64x512xf32, #tpu.memory_space<hbm>>)
      %dma_start3A_56 = arith.constant 192 : i32
      %dma_start3A_57 = tpu.memref_slice %arg8[%dma_start3A_56] : memref<704xi32, #tpu.memory_space<vmem>> -> memref<64xi32, #tpu.memory_space<vmem>>
      %dma_start3A_58 = arith.constant 0 : i32
      %dma_start3A_59 = arith.constant 0 : i32
      %dma_start3A_60 = tpu.memref_slice %arg2[%dma_start3A_58, %dma_start3A_59] : memref<65536x512xf32, #tpu.memory_space<hbm>> -> memref<65536x512xf32, #tpu.memory_space<hbm>>
      tpu.enqueue_indirect_dma source(%dma_start3A_60 : memref<65536x512xf32, #tpu.memory_space<hbm>>) target(%arg9 : memref<64x512xf32, #tpu.memory_space<vmem>>) offsets(%dma_start3A_57 : memref<64xi32, #tpu.memory_space<vmem>>) semaphore(%arg15 : memref<!tpu.dma_semaphore, #tpu.memory_space<semaphore_mem>>)
      %dma_wait3A_61 = arith.constant 128 : i32
      %dma_wait3A_62 = tpu.memref_slice %arg8[%dma_wait3A_61] : memref<704xi32, #tpu.memory_space<vmem>> -> memref<64xi32, #tpu.memory_space<vmem>>
      %dma_wait3A_63 = arith.constant 0 : i32
      %dma_wait3A_64 = arith.constant 0 : i32
      %dma_wait3A_65 = tpu.memref_slice %arg2[%dma_wait3A_63, %dma_wait3A_64] : memref<65536x512xf32, #tpu.memory_space<hbm>> -> memref<65536x512xf32, #tpu.memory_space<hbm>>
      tpu.wait_indirect_dma semaphore(%arg17 : memref<!tpu.dma_semaphore, #tpu.memory_space<semaphore_mem>>) src(%dma_wait3A_65 : memref<65536x512xf32, #tpu.memory_space<hbm>>) dst(%arg11 : memref<64x512xf32, #tpu.memory_space<vmem>>)
      %add3A_66 = arith.constant 128 : i32
      %add3A_67 = arith.addi %add3A_11, %add3A_66 : i32
      %dma_start3A_68 = arith.constant 0 : i32
      %dma_start3A_69 = tpu.memref_slice %arg5[%add3A_67, %dma_start3A_68] : memref<16384x512xf32, #tpu.memory_space<hbm>> -> memref<64x512xf32, #tpu.memory_space<hbm>>
      %dma_start3A_70 = arith.constant 0 : i32
      %dma_start3A_71 = tpu.memref_slice %arg5[%add3A_67, %dma_start3A_70] : memref<16384x512xf32, #tpu.memory_space<hbm>> -> memref<64x512xf32, #tpu.memory_space<hbm>>
      tpu.enqueue_dma source(%arg11 : memref<64x512xf32, #tpu.memory_space<vmem>>) target(%dma_start3A_71 : memref<64x512xf32, #tpu.memory_space<hbm>>) target_semaphore(%arg20 : memref<!tpu.dma_semaphore, #tpu.memory_space<semaphore_mem>>)
      %dma_wait3A_72 = arith.constant 0 : i32
      %dma_wait3A_73 = tpu.memref_slice %arg5[%add3A_47, %dma_wait3A_72] : memref<16384x512xf32, #tpu.memory_space<hbm>> -> memref<64x512xf32, #tpu.memory_space<hbm>>
      %dma_wait3A_74 = arith.constant 0 : i32
      %dma_wait3A_75 = tpu.memref_slice %arg5[%add3A_47, %dma_wait3A_74] : memref<16384x512xf32, #tpu.memory_space<hbm>> -> memref<64x512xf32, #tpu.memory_space<hbm>>
      tpu.wait_dma2 semaphore(%arg19 : memref<!tpu.dma_semaphore, #tpu.memory_space<semaphore_mem>>) src(%arg10 : memref<64x512xf32, #tpu.memory_space<vmem>>) dst(%dma_wait3A_75 : memref<64x512xf32, #tpu.memory_space<hbm>>)
      %dma_start3A_76 = arith.constant 256 : i32
      %dma_start3A_77 = tpu.memref_slice %arg8[%dma_start3A_76] : memref<704xi32, #tpu.memory_space<vmem>> -> memref<64xi32, #tpu.memory_space<vmem>>
      %dma_start3A_78 = arith.constant 0 : i32
      %dma_start3A_79 = arith.constant 0 : i32
      %dma_start3A_80 = tpu.memref_slice %arg2[%dma_start3A_78, %dma_start3A_79] : memref<65536x512xf32, #tpu.memory_space<hbm>> -> memref<65536x512xf32, #tpu.memory_space<hbm>>
      tpu.enqueue_indirect_dma source(%dma_start3A_80 : memref<65536x512xf32, #tpu.memory_space<hbm>>) target(%arg10 : memref<64x512xf32, #tpu.memory_space<vmem>>) offsets(%dma_start3A_77 : memref<64xi32, #tpu.memory_space<vmem>>) semaphore(%arg16 : memref<!tpu.dma_semaphore, #tpu.memory_space<semaphore_mem>>)
      %dma_wait3A_81 = arith.constant 192 : i32
      %dma_wait3A_82 = tpu.memref_slice %arg8[%dma_wait3A_81] : memref<704xi32, #tpu.memory_space<vmem>> -> memref<64xi32, #tpu.memory_space<vmem>>
      %dma_wait3A_83 = arith.constant 0 : i32
      %dma_wait3A_84 = arith.constant 0 : i32
      %dma_wait3A_85 = tpu.memref_slice %arg2[%dma_wait3A_83, %dma_wait3A_84] : memref<65536x512xf32, #tpu.memory_space<hbm>> -> memref<65536x512xf32, #tpu.memory_space<hbm>>
      tpu.wait_indirect_dma semaphore(%arg15 : memref<!tpu.dma_semaphore, #tpu.memory_space<semaphore_mem>>) src(%dma_wait3A_85 : memref<65536x512xf32, #tpu.memory_space<hbm>>) dst(%arg9 : memref<64x512xf32, #tpu.memory_space<vmem>>)
      %add3A_86 = arith.constant 192 : i32
      %add3A_87 = arith.addi %add3A_11, %add3A_86 : i32
      %dma_start3A_88 = arith.constant 0 : i32
      %dma_start3A_89 = tpu.memref_slice %arg5[%add3A_87, %dma_start3A_88] : memref<16384x512xf32, #tpu.memory_space<hbm>> -> memref<64x512xf32, #tpu.memory_space<hbm>>
      %dma_start3A_90 = arith.constant 0 : i32
      %dma_start3A_91 = tpu.memref_slice %arg5[%add3A_87, %dma_start3A_90] : memref<16384x512xf32, #tpu.memory_space<hbm>> -> memref<64x512xf32, #tpu.memory_space<hbm>>
      tpu.enqueue_dma source(%arg9 : memref<64x512xf32, #tpu.memory_space<vmem>>) target(%dma_start3A_91 : memref<64x512xf32, #tpu.memory_space<hbm>>) target_semaphore(%arg18 : memref<!tpu.dma_semaphore, #tpu.memory_space<semaphore_mem>>)
      %dma_wait3A_92 = arith.constant 0 : i32
      %dma_wait3A_93 = tpu.memref_slice %arg5[%add3A_67, %dma_wait3A_92] : memref<16384x512xf32, #tpu.memory_space<hbm>> -> memref<64x512xf32, #tpu.memory_space<hbm>>
      %dma_wait3A_94 = arith.constant 0 : i32
      %dma_wait3A_95 = tpu.memref_slice %arg5[%add3A_67, %dma_wait3A_94] : memref<16384x512xf32, #tpu.memory_space<hbm>> -> memref<64x512xf32, #tpu.memory_space<hbm>>
      tpu.wait_dma2 semaphore(%arg20 : memref<!tpu.dma_semaphore, #tpu.memory_space<semaphore_mem>>) src(%arg11 : memref<64x512xf32, #tpu.memory_space<vmem>>) dst(%dma_wait3A_95 : memref<64x512xf32, #tpu.memory_space<hbm>>)
      %dma_start3A_96 = arith.constant 320 : i32
      %dma_start3A_97 = tpu.memref_slice %arg8[%dma_start3A_96] : memref<704xi32, #tpu.memory_space<vmem>> -> memref<64xi32, #tpu.memory_space<vmem>>
      %dma_start3A_98 = arith.constant 0 : i32
      %dma_start3A_99 = arith.constant 0 : i32
      %dma_start3A_100 = tpu.memref_slice %arg2[%dma_start3A_98, %dma_start3A_99] : memref<65536x512xf32, #tpu.memory_space<hbm>> -> memref<65536x512xf32, #tpu.memory_space<hbm>>
      tpu.enqueue_indirect_dma source(%dma_start3A_100 : memref<65536x512xf32, #tpu.memory_space<hbm>>) target(%arg11 : memref<64x512xf32, #tpu.memory_space<vmem>>) offsets(%dma_start3A_97 : memref<64xi32, #tpu.memory_space<vmem>>) semaphore(%arg17 : memref<!tpu.dma_semaphore, #tpu.memory_space<semaphore_mem>>)
      %dma_wait3A_101 = arith.constant 256 : i32
      %dma_wait3A_102 = tpu.memref_slice %arg8[%dma_wait3A_101] : memref<704xi32, #tpu.memory_space<vmem>> -> memref<64xi32, #tpu.memory_space<vmem>>
      %dma_wait3A_103 = arith.constant 0 : i32
      %dma_wait3A_104 = arith.constant 0 : i32
      %dma_wait3A_105 = tpu.memref_slice %arg2[%dma_wait3A_103, %dma_wait3A_104] : memref<65536x512xf32, #tpu.memory_space<hbm>> -> memref<65536x512xf32, #tpu.memory_space<hbm>>
      tpu.wait_indirect_dma semaphore(%arg16 : memref<!tpu.dma_semaphore, #tpu.memory_space<semaphore_mem>>) src(%dma_wait3A_105 : memref<65536x512xf32, #tpu.memory_space<hbm>>) dst(%arg10 : memref<64x512xf32, #tpu.memory_space<vmem>>)
      %add3A_106 = arith.constant 256 : i32
      %add3A_107 = arith.addi %add3A_11, %add3A_106 : i32
      %dma_start3A_108 = arith.constant 0 : i32
      %dma_start3A_109 = tpu.memref_slice %arg5[%add3A_107, %dma_start3A_108] : memref<16384x512xf32, #tpu.memory_space<hbm>> -> memref<64x512xf32, #tpu.memory_space<hbm>>
      %dma_start3A_110 = arith.constant 0 : i32
      %dma_start3A_111 = tpu.memref_slice %arg5[%add3A_107, %dma_start3A_110] : memref<16384x512xf32, #tpu.memory_space<hbm>> -> memref<64x512xf32, #tpu.memory_space<hbm>>
      tpu.enqueue_dma source(%arg10 : memref<64x512xf32, #tpu.memory_space<vmem>>) target(%dma_start3A_111 : memref<64x512xf32, #tpu.memory_space<hbm>>) target_semaphore(%arg19 : memref<!tpu.dma_semaphore, #tpu.memory_space<semaphore_mem>>)
      %dma_wait3A_112 = arith.constant 0 : i32
      %dma_wait3A_113 = tpu.memref_slice %arg5[%add3A_87, %dma_wait3A_112] : memref<16384x512xf32, #tpu.memory_space<hbm>> -> memref<64x512xf32, #tpu.memory_space<hbm>>
      %dma_wait3A_114 = arith.constant 0 : i32
      %dma_wait3A_115 = tpu.memref_slice %arg5[%add3A_87, %dma_wait3A_114] : memref<16384x512xf32, #tpu.memory_space<hbm>> -> memref<64x512xf32, #tpu.memory_space<hbm>>
      tpu.wait_dma2 semaphore(%arg18 : memref<!tpu.dma_semaphore, #tpu.memory_space<semaphore_mem>>) src(%arg9 : memref<64x512xf32, #tpu.memory_space<vmem>>) dst(%dma_wait3A_115 : memref<64x512xf32, #tpu.memory_space<hbm>>)
      %dma_start3A_116 = arith.constant 384 : i32
      %dma_start3A_117 = tpu.memref_slice %arg8[%dma_start3A_116] : memref<704xi32, #tpu.memory_space<vmem>> -> memref<64xi32, #tpu.memory_space<vmem>>
      %dma_start3A_118 = arith.constant 0 : i32
      %dma_start3A_119 = arith.constant 0 : i32
      %dma_start3A_120 = tpu.memref_slice %arg2[%dma_start3A_118, %dma_start3A_119] : memref<65536x512xf32, #tpu.memory_space<hbm>> -> memref<65536x512xf32, #tpu.memory_space<hbm>>
      tpu.enqueue_indirect_dma source(%dma_start3A_120 : memref<65536x512xf32, #tpu.memory_space<hbm>>) target(%arg9 : memref<64x512xf32, #tpu.memory_space<vmem>>) offsets(%dma_start3A_117 : memref<64xi32, #tpu.memory_space<vmem>>) semaphore(%arg15 : memref<!tpu.dma_semaphore, #tpu.memory_space<semaphore_mem>>)
      %dma_wait3A_121 = arith.constant 320 : i32
      %dma_wait3A_122 = tpu.memref_slice %arg8[%dma_wait3A_121] : memref<704xi32, #tpu.memory_space<vmem>> -> memref<64xi32, #tpu.memory_space<vmem>>
      %dma_wait3A_123 = arith.constant 0 : i32
      %dma_wait3A_124 = arith.constant 0 : i32
      %dma_wait3A_125 = tpu.memref_slice %arg2[%dma_wait3A_123, %dma_wait3A_124] : memref<65536x512xf32, #tpu.memory_space<hbm>> -> memref<65536x512xf32, #tpu.memory_space<hbm>>
      tpu.wait_indirect_dma semaphore(%arg17 : memref<!tpu.dma_semaphore, #tpu.memory_space<semaphore_mem>>) src(%dma_wait3A_125 : memref<65536x512xf32, #tpu.memory_space<hbm>>) dst(%arg11 : memref<64x512xf32, #tpu.memory_space<vmem>>)
      %add3A_126 = arith.constant 320 : i32
      %add3A_127 = arith.addi %add3A_11, %add3A_126 : i32
      %dma_start3A_128 = arith.constant 0 : i32
      %dma_start3A_129 = tpu.memref_slice %arg5[%add3A_127, %dma_start3A_128] : memref<16384x512xf32, #tpu.memory_space<hbm>> -> memref<64x512xf32, #tpu.memory_space<hbm>>
      %dma_start3A_130 = arith.constant 0 : i32
      %dma_start3A_131 = tpu.memref_slice %arg5[%add3A_127, %dma_start3A_130] : memref<16384x512xf32, #tpu.memory_space<hbm>> -> memref<64x512xf32, #tpu.memory_space<hbm>>
      tpu.enqueue_dma source(%arg11 : memref<64x512xf32, #tpu.memory_space<vmem>>) target(%dma_start3A_131 : memref<64x512xf32, #tpu.memory_space<hbm>>) target_semaphore(%arg20 : memref<!tpu.dma_semaphore, #tpu.memory_space<semaphore_mem>>)
      %dma_wait3A_132 = arith.constant 0 : i32
      %dma_wait3A_133 = tpu.memref_slice %arg5[%add3A_107, %dma_wait3A_132] : memref<16384x512xf32, #tpu.memory_space<hbm>> -> memref<64x512xf32, #tpu.memory_space<hbm>>
      %dma_wait3A_134 = arith.constant 0 : i32
      %dma_wait3A_135 = tpu.memref_slice %arg5[%add3A_107, %dma_wait3A_134] : memref<16384x512xf32, #tpu.memory_space<hbm>> -> memref<64x512xf32, #tpu.memory_space<hbm>>
      tpu.wait_dma2 semaphore(%arg19 : memref<!tpu.dma_semaphore, #tpu.memory_space<semaphore_mem>>) src(%arg10 : memref<64x512xf32, #tpu.memory_space<vmem>>) dst(%dma_wait3A_135 : memref<64x512xf32, #tpu.memory_space<hbm>>)
      %dma_start3A_136 = arith.constant 448 : i32
      %dma_start3A_137 = tpu.memref_slice %arg8[%dma_start3A_136] : memref<704xi32, #tpu.memory_space<vmem>> -> memref<64xi32, #tpu.memory_space<vmem>>
      %dma_start3A_138 = arith.constant 0 : i32
      %dma_start3A_139 = arith.constant 0 : i32
      %dma_start3A_140 = tpu.memref_slice %arg2[%dma_start3A_138, %dma_start3A_139] : memref<65536x512xf32, #tpu.memory_space<hbm>> -> memref<65536x512xf32, #tpu.memory_space<hbm>>
      tpu.enqueue_indirect_dma source(%dma_start3A_140 : memref<65536x512xf32, #tpu.memory_space<hbm>>) target(%arg10 : memref<64x512xf32, #tpu.memory_space<vmem>>) offsets(%dma_start3A_137 : memref<64xi32, #tpu.memory_space<vmem>>) semaphore(%arg16 : memref<!tpu.dma_semaphore, #tpu.memory_space<semaphore_mem>>)
      %dma_wait3A_141 = arith.constant 384 : i32
      %dma_wait3A_142 = tpu.memref_slice %arg8[%dma_wait3A_141] : memref<704xi32, #tpu.memory_space<vmem>> -> memref<64xi32, #tpu.memory_space<vmem>>
      %dma_wait3A_143 = arith.constant 0 : i32
      %dma_wait3A_144 = arith.constant 0 : i32
      %dma_wait3A_145 = tpu.memref_slice %arg2[%dma_wait3A_143, %dma_wait3A_144] : memref<65536x512xf32, #tpu.memory_space<hbm>> -> memref<65536x512xf32, #tpu.memory_space<hbm>>
      tpu.wait_indirect_dma semaphore(%arg15 : memref<!tpu.dma_semaphore, #tpu.memory_space<semaphore_mem>>) src(%dma_wait3A_145 : memref<65536x512xf32, #tpu.memory_space<hbm>>) dst(%arg9 : memref<64x512xf32, #tpu.memory_space<vmem>>)
      %add3A_146 = arith.constant 384 : i32
      %add3A_147 = arith.addi %add3A_11, %add3A_146 : i32
      %dma_start3A_148 = arith.constant 0 : i32
      %dma_start3A_149 = tpu.memref_slice %arg5[%add3A_147, %dma_start3A_148] : memref<16384x512xf32, #tpu.memory_space<hbm>> -> memref<64x512xf32, #tpu.memory_space<hbm>>
      %dma_start3A_150 = arith.constant 0 : i32
      %dma_start3A_151 = tpu.memref_slice %arg5[%add3A_147, %dma_start3A_150] : memref<16384x512xf32, #tpu.memory_space<hbm>> -> memref<64x512xf32, #tpu.memory_space<hbm>>
      tpu.enqueue_dma source(%arg9 : memref<64x512xf32, #tpu.memory_space<vmem>>) target(%dma_start3A_151 : memref<64x512xf32, #tpu.memory_space<hbm>>) target_semaphore(%arg18 : memref<!tpu.dma_semaphore, #tpu.memory_space<semaphore_mem>>)
      %dma_wait3A_152 = arith.constant 0 : i32
      %dma_wait3A_153 = tpu.memref_slice %arg5[%add3A_127, %dma_wait3A_152] : memref<16384x512xf32, #tpu.memory_space<hbm>> -> memref<64x512xf32, #tpu.memory_space<hbm>>
      %dma_wait3A_154 = arith.constant 0 : i32
      %dma_wait3A_155 = tpu.memref_slice %arg5[%add3A_127, %dma_wait3A_154] : memref<16384x512xf32, #tpu.memory_space<hbm>> -> memref<64x512xf32, #tpu.memory_space<hbm>>
      tpu.wait_dma2 semaphore(%arg20 : memref<!tpu.dma_semaphore, #tpu.memory_space<semaphore_mem>>) src(%arg11 : memref<64x512xf32, #tpu.memory_space<vmem>>) dst(%dma_wait3A_155 : memref<64x512xf32, #tpu.memory_space<hbm>>)
      %dma_start3A_156 = arith.constant 512 : i32
      %dma_start3A_157 = tpu.memref_slice %arg8[%dma_start3A_156] : memref<704xi32, #tpu.memory_space<vmem>> -> memref<64xi32, #tpu.memory_space<vmem>>
      %dma_start3A_158 = arith.constant 0 : i32
      %dma_start3A_159 = arith.constant 0 : i32
      %dma_start3A_160 = tpu.memref_slice %arg2[%dma_start3A_158, %dma_start3A_159] : memref<65536x512xf32, #tpu.memory_space<hbm>> -> memref<65536x512xf32, #tpu.memory_space<hbm>>
      tpu.enqueue_indirect_dma source(%dma_start3A_160 : memref<65536x512xf32, #tpu.memory_space<hbm>>) target(%arg11 : memref<64x512xf32, #tpu.memory_space<vmem>>) offsets(%dma_start3A_157 : memref<64xi32, #tpu.memory_space<vmem>>) semaphore(%arg17 : memref<!tpu.dma_semaphore, #tpu.memory_space<semaphore_mem>>)
      %dma_wait3A_161 = arith.constant 448 : i32
      %dma_wait3A_162 = tpu.memref_slice %arg8[%dma_wait3A_161] : memref<704xi32, #tpu.memory_space<vmem>> -> memref<64xi32, #tpu.memory_space<vmem>>
      %dma_wait3A_163 = arith.constant 0 : i32
      %dma_wait3A_164 = arith.constant 0 : i32
      %dma_wait3A_165 = tpu.memref_slice %arg2[%dma_wait3A_163, %dma_wait3A_164] : memref<65536x512xf32, #tpu.memory_space<hbm>> -> memref<65536x512xf32, #tpu.memory_space<hbm>>
      tpu.wait_indirect_dma semaphore(%arg16 : memref<!tpu.dma_semaphore, #tpu.memory_space<semaphore_mem>>) src(%dma_wait3A_165 : memref<65536x512xf32, #tpu.memory_space<hbm>>) dst(%arg10 : memref<64x512xf32, #tpu.memory_space<vmem>>)
      %add3A_166 = arith.constant 448 : i32
      %add3A_167 = arith.addi %add3A_11, %add3A_166 : i32
      %dma_start3A_168 = arith.constant 0 : i32
      %dma_start3A_169 = tpu.memref_slice %arg5[%add3A_167, %dma_start3A_168] : memref<16384x512xf32, #tpu.memory_space<hbm>> -> memref<64x512xf32, #tpu.memory_space<hbm>>
      %dma_start3A_170 = arith.constant 0 : i32
      %dma_start3A_171 = tpu.memref_slice %arg5[%add3A_167, %dma_start3A_170] : memref<16384x512xf32, #tpu.memory_space<hbm>> -> memref<64x512xf32, #tpu.memory_space<hbm>>
      tpu.enqueue_dma source(%arg10 : memref<64x512xf32, #tpu.memory_space<vmem>>) target(%dma_start3A_171 : memref<64x512xf32, #tpu.memory_space<hbm>>) target_semaphore(%arg19 : memref<!tpu.dma_semaphore, #tpu.memory_space<semaphore_mem>>)
      %dma_wait3A_172 = arith.constant 0 : i32
      %dma_wait3A_173 = tpu.memref_slice %arg5[%add3A_147, %dma_wait3A_172] : memref<16384x512xf32, #tpu.memory_space<hbm>> -> memref<64x512xf32, #tpu.memory_space<hbm>>
      %dma_wait3A_174 = arith.constant 0 : i32
      %dma_wait3A_175 = tpu.memref_slice %arg5[%add3A_147, %dma_wait3A_174] : memref<16384x512xf32, #tpu.memory_space<hbm>> -> memref<64x512xf32, #tpu.memory_space<hbm>>
      tpu.wait_dma2 semaphore(%arg18 : memref<!tpu.dma_semaphore, #tpu.memory_space<semaphore_mem>>) src(%arg9 : memref<64x512xf32, #tpu.memory_space<vmem>>) dst(%dma_wait3A_175 : memref<64x512xf32, #tpu.memory_space<hbm>>)
      %dma_start3A_176 = arith.constant 576 : i32
      %dma_start3A_177 = tpu.memref_slice %arg8[%dma_start3A_176] : memref<704xi32, #tpu.memory_space<vmem>> -> memref<64xi32, #tpu.memory_space<vmem>>
      %dma_start3A_178 = arith.constant 0 : i32
      %dma_start3A_179 = arith.constant 0 : i32
      %dma_start3A_180 = tpu.memref_slice %arg2[%dma_start3A_178, %dma_start3A_179] : memref<65536x512xf32, #tpu.memory_space<hbm>> -> memref<65536x512xf32, #tpu.memory_space<hbm>>
      tpu.enqueue_indirect_dma source(%dma_start3A_180 : memref<65536x512xf32, #tpu.memory_space<hbm>>) target(%arg9 : memref<64x512xf32, #tpu.memory_space<vmem>>) offsets(%dma_start3A_177 : memref<64xi32, #tpu.memory_space<vmem>>) semaphore(%arg15 : memref<!tpu.dma_semaphore, #tpu.memory_space<semaphore_mem>>)
      %dma_wait3A_181 = arith.constant 512 : i32
      %dma_wait3A_182 = tpu.memref_slice %arg8[%dma_wait3A_181] : memref<704xi32, #tpu.memory_space<vmem>> -> memref<64xi32, #tpu.memory_space<vmem>>
      %dma_wait3A_183 = arith.constant 0 : i32
      %dma_wait3A_184 = arith.constant 0 : i32
      %dma_wait3A_185 = tpu.memref_slice %arg2[%dma_wait3A_183, %dma_wait3A_184] : memref<65536x512xf32, #tpu.memory_space<hbm>> -> memref<65536x512xf32, #tpu.memory_space<hbm>>
      tpu.wait_indirect_dma semaphore(%arg17 : memref<!tpu.dma_semaphore, #tpu.memory_space<semaphore_mem>>) src(%dma_wait3A_185 : memref<65536x512xf32, #tpu.memory_space<hbm>>) dst(%arg11 : memref<64x512xf32, #tpu.memory_space<vmem>>)
      %add3A_186 = arith.constant 512 : i32
      %add3A_187 = arith.addi %add3A_11, %add3A_186 : i32
      %dma_start3A_188 = arith.constant 0 : i32
      %dma_start3A_189 = tpu.memref_slice %arg5[%add3A_187, %dma_start3A_188] : memref<16384x512xf32, #tpu.memory_space<hbm>> -> memref<64x512xf32, #tpu.memory_space<hbm>>
      %dma_start3A_190 = arith.constant 0 : i32
      %dma_start3A_191 = tpu.memref_slice %arg5[%add3A_187, %dma_start3A_190] : memref<16384x512xf32, #tpu.memory_space<hbm>> -> memref<64x512xf32, #tpu.memory_space<hbm>>
      tpu.enqueue_dma source(%arg11 : memref<64x512xf32, #tpu.memory_space<vmem>>) target(%dma_start3A_191 : memref<64x512xf32, #tpu.memory_space<hbm>>) target_semaphore(%arg20 : memref<!tpu.dma_semaphore, #tpu.memory_space<semaphore_mem>>)
      %dma_wait3A_192 = arith.constant 0 : i32
      %dma_wait3A_193 = tpu.memref_slice %arg5[%add3A_167, %dma_wait3A_192] : memref<16384x512xf32, #tpu.memory_space<hbm>> -> memref<64x512xf32, #tpu.memory_space<hbm>>
      %dma_wait3A_194 = arith.constant 0 : i32
      %dma_wait3A_195 = tpu.memref_slice %arg5[%add3A_167, %dma_wait3A_194] : memref<16384x512xf32, #tpu.memory_space<hbm>> -> memref<64x512xf32, #tpu.memory_space<hbm>>
      tpu.wait_dma2 semaphore(%arg19 : memref<!tpu.dma_semaphore, #tpu.memory_space<semaphore_mem>>) src(%arg10 : memref<64x512xf32, #tpu.memory_space<vmem>>) dst(%dma_wait3A_195 : memref<64x512xf32, #tpu.memory_space<hbm>>)
      %dma_start3A_196 = arith.constant 640 : i32
      %dma_start3A_197 = tpu.memref_slice %arg8[%dma_start3A_196] : memref<704xi32, #tpu.memory_space<vmem>> -> memref<64xi32, #tpu.memory_space<vmem>>
      %dma_start3A_198 = arith.constant 0 : i32
      %dma_start3A_199 = arith.constant 0 : i32
      %dma_start3A_200 = tpu.memref_slice %arg2[%dma_start3A_198, %dma_start3A_199] : memref<65536x512xf32, #tpu.memory_space<hbm>> -> memref<65536x512xf32, #tpu.memory_space<hbm>>
      tpu.enqueue_indirect_dma source(%dma_start3A_200 : memref<65536x512xf32, #tpu.memory_space<hbm>>) target(%arg10 : memref<64x512xf32, #tpu.memory_space<vmem>>) offsets(%dma_start3A_197 : memref<64xi32, #tpu.memory_space<vmem>>) semaphore(%arg16 : memref<!tpu.dma_semaphore, #tpu.memory_space<semaphore_mem>>)
      %dma_wait3A_201 = arith.constant 576 : i32
      %dma_wait3A_202 = tpu.memref_slice %arg8[%dma_wait3A_201] : memref<704xi32, #tpu.memory_space<vmem>> -> memref<64xi32, #tpu.memory_space<vmem>>
      %dma_wait3A_203 = arith.constant 0 : i32
      %dma_wait3A_204 = arith.constant 0 : i32
      %dma_wait3A_205 = tpu.memref_slice %arg2[%dma_wait3A_203, %dma_wait3A_204] : memref<65536x512xf32, #tpu.memory_space<hbm>> -> memref<65536x512xf32, #tpu.memory_space<hbm>>
      tpu.wait_indirect_dma semaphore(%arg15 : memref<!tpu.dma_semaphore, #tpu.memory_space<semaphore_mem>>) src(%dma_wait3A_205 : memref<65536x512xf32, #tpu.memory_space<hbm>>) dst(%arg9 : memref<64x512xf32, #tpu.memory_space<vmem>>)
      %add3A_206 = arith.constant 576 : i32
      %add3A_207 = arith.addi %add3A_11, %add3A_206 : i32
      %dma_start3A_208 = arith.constant 0 : i32
      %dma_start3A_209 = tpu.memref_slice %arg5[%add3A_207, %dma_start3A_208] : memref<16384x512xf32, #tpu.memory_space<hbm>> -> memref<64x512xf32, #tpu.memory_space<hbm>>
      %dma_start3A_210 = arith.constant 0 : i32
      %dma_start3A_211 = tpu.memref_slice %arg5[%add3A_207, %dma_start3A_210] : memref<16384x512xf32, #tpu.memory_space<hbm>> -> memref<64x512xf32, #tpu.memory_space<hbm>>
      tpu.enqueue_dma source(%arg9 : memref<64x512xf32, #tpu.memory_space<vmem>>) target(%dma_start3A_211 : memref<64x512xf32, #tpu.memory_space<hbm>>) target_semaphore(%arg18 : memref<!tpu.dma_semaphore, #tpu.memory_space<semaphore_mem>>)
      %dma_wait3A_212 = arith.constant 640 : i32
      %dma_wait3A_213 = tpu.memref_slice %arg8[%dma_wait3A_212] : memref<704xi32, #tpu.memory_space<vmem>> -> memref<64xi32, #tpu.memory_space<vmem>>
      %dma_wait3A_214 = arith.constant 0 : i32
      %dma_wait3A_215 = arith.constant 0 : i32
      %dma_wait3A_216 = tpu.memref_slice %arg2[%dma_wait3A_214, %dma_wait3A_215] : memref<65536x512xf32, #tpu.memory_space<hbm>> -> memref<65536x512xf32, #tpu.memory_space<hbm>>
      tpu.wait_indirect_dma semaphore(%arg16 : memref<!tpu.dma_semaphore, #tpu.memory_space<semaphore_mem>>) src(%dma_wait3A_216 : memref<65536x512xf32, #tpu.memory_space<hbm>>) dst(%arg10 : memref<64x512xf32, #tpu.memory_space<vmem>>)
      %add3A_217 = arith.constant 640 : i32
      %add3A_218 = arith.addi %add3A_11, %add3A_217 : i32
      %dma_start3A_219 = arith.constant 0 : i32
      %dma_start3A_220 = tpu.memref_slice %arg5[%add3A_218, %dma_start3A_219] : memref<16384x512xf32, #tpu.memory_space<hbm>> -> memref<64x512xf32, #tpu.memory_space<hbm>>
      %dma_start3A_221 = arith.constant 0 : i32
      %dma_start3A_222 = tpu.memref_slice %arg5[%add3A_218, %dma_start3A_221] : memref<16384x512xf32, #tpu.memory_space<hbm>> -> memref<64x512xf32, #tpu.memory_space<hbm>>
      tpu.enqueue_dma source(%arg10 : memref<64x512xf32, #tpu.memory_space<vmem>>) target(%dma_start3A_222 : memref<64x512xf32, #tpu.memory_space<hbm>>) target_semaphore(%arg19 : memref<!tpu.dma_semaphore, #tpu.memory_space<semaphore_mem>>)
      %dma_wait3A_223 = arith.constant 0 : i32
      %dma_wait3A_224 = tpu.memref_slice %arg5[%add3A_187, %dma_wait3A_223] : memref<16384x512xf32, #tpu.memory_space<hbm>> -> memref<64x512xf32, #tpu.memory_space<hbm>>
      %dma_wait3A_225 = arith.constant 0 : i32
      %dma_wait3A_226 = tpu.memref_slice %arg5[%add3A_187, %dma_wait3A_225] : memref<16384x512xf32, #tpu.memory_space<hbm>> -> memref<64x512xf32, #tpu.memory_space<hbm>>
      tpu.wait_dma2 semaphore(%arg20 : memref<!tpu.dma_semaphore, #tpu.memory_space<semaphore_mem>>) src(%arg11 : memref<64x512xf32, #tpu.memory_space<vmem>>) dst(%dma_wait3A_226 : memref<64x512xf32, #tpu.memory_space<hbm>>)
      %dma_wait3A_227 = arith.constant 0 : i32
      %dma_wait3A_228 = tpu.memref_slice %arg5[%add3A_207, %dma_wait3A_227] : memref<16384x512xf32, #tpu.memory_space<hbm>> -> memref<64x512xf32, #tpu.memory_space<hbm>>
      %dma_wait3A_229 = arith.constant 0 : i32
      %dma_wait3A_230 = tpu.memref_slice %arg5[%add3A_207, %dma_wait3A_229] : memref<16384x512xf32, #tpu.memory_space<hbm>> -> memref<64x512xf32, #tpu.memory_space<hbm>>
      tpu.wait_dma2 semaphore(%arg18 : memref<!tpu.dma_semaphore, #tpu.memory_space<semaphore_mem>>) src(%arg9 : memref<64x512xf32, #tpu.memory_space<vmem>>) dst(%dma_wait3A_230 : memref<64x512xf32, #tpu.memory_space<hbm>>)
      %dma_wait3A_231 = arith.constant 0 : i32
      %dma_wait3A_232 = tpu.memref_slice %arg5[%add3A_218, %dma_wait3A_231] : memref<16384x512xf32, #tpu.memory_space<hbm>> -> memref<64x512xf32, #tpu.memory_space<hbm>>
      %dma_wait3A_233 = arith.constant 0 : i32
      %dma_wait3A_234 = tpu.memref_slice %arg5[%add3A_218, %dma_wait3A_233] : memref<16384x512xf32, #tpu.memory_space<hbm>> -> memref<64x512xf32, #tpu.memory_space<hbm>>
      tpu.wait_dma2 semaphore(%arg19 : memref<!tpu.dma_semaphore, #tpu.memory_space<semaphore_mem>>) src(%arg10 : memref<64x512xf32, #tpu.memory_space<vmem>>) dst(%dma_wait3A_234 : memref<64x512xf32, #tpu.memory_space<hbm>>)
    } else {
    }
    %lt3A = arith.constant 16 : i32
    %lt3A_3 = arith.cmpi slt, %add3A, %lt3A : i32
    %convert_element_type3A_4 = arith.extui %lt3A_3 : i1 to i32
    %cond3A_5 = arith.constant 0 : i32
    %cond3A_6 = arith.cmpi ne, %convert_element_type3A_4, %cond3A_5 : i32
    scf.if %cond3A_6 {
      %mul3A_7 = arith.constant 320 : i32
      %mul3A_8 = arith.muli %add3A, %mul3A_7 : i32
      "tpu.region"() ({
        %run_scoped3A = tpu.sem_alloc : memref<!tpu.dma_semaphore, #tpu.memory_space<semaphore_mem>>
        %dma_start3A_139 = arith.constant 0 : i32
        %dma_start3A_140 = tpu.memref_slice %arg7[%dma_start3A_139] : memref<704xi32, #tpu.memory_space<vmem>> -> memref<320xi32, #tpu.memory_space<vmem>>
        %dma_start3A_141 = tpu.memref_slice %arg3[%mul3A_8] : memref<16384xi32, #tpu.memory_space<hbm>> -> memref<320xi32, #tpu.memory_space<hbm>>
        %dma_start3A_142 = arith.constant 0 : i32
        %dma_start3A_143 = tpu.memref_slice %arg7[%dma_start3A_142] : memref<704xi32, #tpu.memory_space<vmem>> -> memref<320xi32, #tpu.memory_space<vmem>>
        %dma_start3A_144 = tpu.memref_slice %arg3[%mul3A_8] : memref<16384xi32, #tpu.memory_space<hbm>> -> memref<320xi32, #tpu.memory_space<hbm>>
        tpu.enqueue_dma source(%dma_start3A_144 : memref<320xi32, #tpu.memory_space<hbm>>) target(%dma_start3A_143 : memref<320xi32, #tpu.memory_space<vmem>>) target_semaphore(%run_scoped3A : memref<!tpu.dma_semaphore, #tpu.memory_space<semaphore_mem>>)
        %dma_wait3A_145 = arith.constant 0 : i32
        %dma_wait3A_146 = tpu.memref_slice %arg7[%dma_wait3A_145] : memref<704xi32, #tpu.memory_space<vmem>> -> memref<320xi32, #tpu.memory_space<vmem>>
        %dma_wait3A_147 = tpu.memref_slice %arg3[%mul3A_8] : memref<16384xi32, #tpu.memory_space<hbm>> -> memref<320xi32, #tpu.memory_space<hbm>>
        %dma_wait3A_148 = arith.constant 0 : i32
        %dma_wait3A_149 = tpu.memref_slice %arg7[%dma_wait3A_148] : memref<704xi32, #tpu.memory_space<vmem>> -> memref<320xi32, #tpu.memory_space<vmem>>
        %dma_wait3A_150 = tpu.memref_slice %arg3[%mul3A_8] : memref<16384xi32, #tpu.memory_space<hbm>> -> memref<320xi32, #tpu.memory_space<hbm>>
        tpu.wait_dma2 semaphore(%run_scoped3A : memref<!tpu.dma_semaphore, #tpu.memory_space<semaphore_mem>>) src(%dma_wait3A_150 : memref<320xi32, #tpu.memory_space<hbm>>) dst(%dma_wait3A_149 : memref<320xi32, #tpu.memory_space<vmem>>)
        tpu.yield
      }) : () -> ()
      %scan3A = arith.constant 0 : i32
      %scan3A_9 = arith.constant 0 : i32
      %scan3A_10 = arith.constant 20 : i32
      %scan3A_11 = arith.addi %scan3A_9, %scan3A_10 : i32
      %scan3A_12 = arith.constant 1 : i32
      scf.for %scan3A_139 = %scan3A_9 to %scan3A_11 step %scan3A_12  : i32 {
        %mul3A_140 = arith.constant 16 : i32
        %mul3A_141 = arith.muli %scan3A_139, %mul3A_140 : i32
        %get3A = arith.index_cast %mul3A_141 : i32 to index
        %get3A_142 = tpu.vector_load %arg7[%get3A] {strides = array<i32>} : memref<704xi32, #tpu.memory_space<vmem>>, vector<16xi32>,
        %mul3A_143 = arith.constant 16 : i32
        %mul3A_144 = vector.broadcast %mul3A_143 : i32 to vector<16xi32>
        %mul3A_145 = arith.muli %get3A_142, %mul3A_144 : vector<16xi32>
        %add3A_146 = arith.addi %mul3A_145, %iota3A : vector<16xi32>
        %mul3A_147 = arith.constant 16 : i32
        %mul3A_148 = arith.muli %scan3A_139, %mul3A_147 : i32
        %swap3A = arith.index_cast %mul3A_148 : i32 to index
        %swap3A_149 = tpu.vector_load %arg8[%swap3A] {strides = array<i32>} : memref<704xi32, #tpu.memory_space<vmem>>, vector<16xi32>,
        tpu.vector_store %arg8[%swap3A], %add3A_146 {strides = array<i32>} : memref<704xi32, #tpu.memory_space<vmem>>, vector<16xi32>,
      }
      %scan3A_13 = arith.constant 20 : i32
      %dma_start3A = arith.constant 0 : i32
      %dma_start3A_14 = tpu.memref_slice %arg8[%dma_start3A] : memref<704xi32, #tpu.memory_space<vmem>> -> memref<64xi32, #tpu.memory_space<vmem>>
      %dma_start3A_15 = arith.constant 0 : i32
      %dma_start3A_16 = arith.constant 0 : i32
      %dma_start3A_17 = tpu.memref_slice %arg2[%dma_start3A_15, %dma_start3A_16] : memref<65536x512xf32, #tpu.memory_space<hbm>> -> memref<65536x512xf32, #tpu.memory_space<hbm>>
      tpu.enqueue_indirect_dma source(%dma_start3A_17 : memref<65536x512xf32, #tpu.memory_space<hbm>>) target(%arg9 : memref<64x512xf32, #tpu.memory_space<vmem>>) offsets(%dma_start3A_14 : memref<64xi32, #tpu.memory_space<vmem>>) semaphore(%arg15 : memref<!tpu.dma_semaphore, #tpu.memory_space<semaphore_mem>>)
      %dma_start3A_18 = arith.constant 64 : i32
      %dma_start3A_19 = tpu.memref_slice %arg8[%dma_start3A_18] : memref<704xi32, #tpu.memory_space<vmem>> -> memref<64xi32, #tpu.memory_space<vmem>>
      %dma_start3A_20 = arith.constant 0 : i32
      %dma_start3A_21 = arith.constant 0 : i32
      %dma_start3A_22 = tpu.memref_slice %arg2[%dma_start3A_20, %dma_start3A_21] : memref<65536x512xf32, #tpu.memory_space<hbm>> -> memref<65536x512xf32, #tpu.memory_space<hbm>>
      tpu.enqueue_indirect_dma source(%dma_start3A_22 : memref<65536x512xf32, #tpu.memory_space<hbm>>) target(%arg10 : memref<64x512xf32, #tpu.memory_space<vmem>>) offsets(%dma_start3A_19 : memref<64xi32, #tpu.memory_space<vmem>>) semaphore(%arg16 : memref<!tpu.dma_semaphore, #tpu.memory_space<semaphore_mem>>)
      %dma_start3A_23 = arith.constant 128 : i32
      %dma_start3A_24 = tpu.memref_slice %arg8[%dma_start3A_23] : memref<704xi32, #tpu.memory_space<vmem>> -> memref<64xi32, #tpu.memory_space<vmem>>
      %dma_start3A_25 = arith.constant 0 : i32
      %dma_start3A_26 = arith.constant 0 : i32
      %dma_start3A_27 = tpu.memref_slice %arg2[%dma_start3A_25, %dma_start3A_26] : memref<65536x512xf32, #tpu.memory_space<hbm>> -> memref<65536x512xf32, #tpu.memory_space<hbm>>
      tpu.enqueue_indirect_dma source(%dma_start3A_27 : memref<65536x512xf32, #tpu.memory_space<hbm>>) target(%arg11 : memref<64x512xf32, #tpu.memory_space<vmem>>) offsets(%dma_start3A_24 : memref<64xi32, #tpu.memory_space<vmem>>) semaphore(%arg17 : memref<!tpu.dma_semaphore, #tpu.memory_space<semaphore_mem>>)
      %dma_wait3A = arith.constant 0 : i32
      %dma_wait3A_28 = tpu.memref_slice %arg8[%dma_wait3A] : memref<704xi32, #tpu.memory_space<vmem>> -> memref<64xi32, #tpu.memory_space<vmem>>
      %dma_wait3A_29 = arith.constant 0 : i32
      %dma_wait3A_30 = arith.constant 0 : i32
      %dma_wait3A_31 = tpu.memref_slice %arg2[%dma_wait3A_29, %dma_wait3A_30] : memref<65536x512xf32, #tpu.memory_space<hbm>> -> memref<65536x512xf32, #tpu.memory_space<hbm>>
      tpu.wait_indirect_dma semaphore(%arg15 : memref<!tpu.dma_semaphore, #tpu.memory_space<semaphore_mem>>) src(%dma_wait3A_31 : memref<65536x512xf32, #tpu.memory_space<hbm>>) dst(%arg9 : memref<64x512xf32, #tpu.memory_space<vmem>>)
      %add3A_32 = arith.constant 0 : i32
      %add3A_33 = arith.addi %mul3A_8, %add3A_32 : i32
      %dma_start3A_34 = arith.constant 0 : i32
      %dma_start3A_35 = tpu.memref_slice %arg5[%add3A_33, %dma_start3A_34] : memref<16384x512xf32, #tpu.memory_space<hbm>> -> memref<64x512xf32, #tpu.memory_space<hbm>>
      %dma_start3A_36 = arith.constant 0 : i32
      %dma_start3A_37 = tpu.memref_slice %arg5[%add3A_33, %dma_start3A_36] : memref<16384x512xf32, #tpu.memory_space<hbm>> -> memref<64x512xf32, #tpu.memory_space<hbm>>
      tpu.enqueue_dma source(%arg9 : memref<64x512xf32, #tpu.memory_space<vmem>>) target(%dma_start3A_37 : memref<64x512xf32, #tpu.memory_space<hbm>>) target_semaphore(%arg18 : memref<!tpu.dma_semaphore, #tpu.memory_space<semaphore_mem>>)
      %dma_wait3A_38 = arith.constant 64 : i32
      %dma_wait3A_39 = tpu.memref_slice %arg8[%dma_wait3A_38] : memref<704xi32, #tpu.memory_space<vmem>> -> memref<64xi32, #tpu.memory_space<vmem>>
      %dma_wait3A_40 = arith.constant 0 : i32
      %dma_wait3A_41 = arith.constant 0 : i32
      %dma_wait3A_42 = tpu.memref_slice %arg2[%dma_wait3A_40, %dma_wait3A_41] : memref<65536x512xf32, #tpu.memory_space<hbm>> -> memref<65536x512xf32, #tpu.memory_space<hbm>>
      tpu.wait_indirect_dma semaphore(%arg16 : memref<!tpu.dma_semaphore, #tpu.memory_space<semaphore_mem>>) src(%dma_wait3A_42 : memref<65536x512xf32, #tpu.memory_space<hbm>>) dst(%arg10 : memref<64x512xf32, #tpu.memory_space<vmem>>)
      %add3A_43 = arith.constant 64 : i32
      %add3A_44 = arith.addi %mul3A_8, %add3A_43 : i32
      %dma_start3A_45 = arith.constant 0 : i32
      %dma_start3A_46 = tpu.memref_slice %arg5[%add3A_44, %dma_start3A_45] : memref<16384x512xf32, #tpu.memory_space<hbm>> -> memref<64x512xf32, #tpu.memory_space<hbm>>
      %dma_start3A_47 = arith.constant 0 : i32
      %dma_start3A_48 = tpu.memref_slice %arg5[%add3A_44, %dma_start3A_47] : memref<16384x512xf32, #tpu.memory_space<hbm>> -> memref<64x512xf32, #tpu.memory_space<hbm>>
      tpu.enqueue_dma source(%arg10 : memref<64x512xf32, #tpu.memory_space<vmem>>) target(%dma_start3A_48 : memref<64x512xf32, #tpu.memory_space<hbm>>) target_semaphore(%arg19 : memref<!tpu.dma_semaphore, #tpu.memory_space<semaphore_mem>>)
      %dma_wait3A_49 = arith.constant 0 : i32
      %dma_wait3A_50 = tpu.memref_slice %arg5[%add3A_33, %dma_wait3A_49] : memref<16384x512xf32, #tpu.memory_space<hbm>> -> memref<64x512xf32, #tpu.memory_space<hbm>>
      %dma_wait3A_51 = arith.constant 0 : i32
      %dma_wait3A_52 = tpu.memref_slice %arg5[%add3A_33, %dma_wait3A_51] : memref<16384x512xf32, #tpu.memory_space<hbm>> -> memref<64x512xf32, #tpu.memory_space<hbm>>
      tpu.wait_dma2 semaphore(%arg18 : memref<!tpu.dma_semaphore, #tpu.memory_space<semaphore_mem>>) src(%arg9 : memref<64x512xf32, #tpu.memory_space<vmem>>) dst(%dma_wait3A_52 : memref<64x512xf32, #tpu.memory_space<hbm>>)
      %dma_start3A_53 = arith.constant 192 : i32
      %dma_start3A_54 = tpu.memref_slice %arg8[%dma_start3A_53] : memref<704xi32, #tpu.memory_space<vmem>> -> memref<64xi32, #tpu.memory_space<vmem>>
      %dma_start3A_55 = arith.constant 0 : i32
      %dma_start3A_56 = arith.constant 0 : i32
      %dma_start3A_57 = tpu.memref_slice %arg2[%dma_start3A_55, %dma_start3A_56] : memref<65536x512xf32, #tpu.memory_space<hbm>> -> memref<65536x512xf32, #tpu.memory_space<hbm>>
      tpu.enqueue_indirect_dma source(%dma_start3A_57 : memref<65536x512xf32, #tpu.memory_space<hbm>>) target(%arg9 : memref<64x512xf32, #tpu.memory_space<vmem>>) offsets(%dma_start3A_54 : memref<64xi32, #tpu.memory_space<vmem>>) semaphore(%arg15 : memref<!tpu.dma_semaphore, #tpu.memory_space<semaphore_mem>>)
      %dma_wait3A_58 = arith.constant 128 : i32
      %dma_wait3A_59 = tpu.memref_slice %arg8[%dma_wait3A_58] : memref<704xi32, #tpu.memory_space<vmem>> -> memref<64xi32, #tpu.memory_space<vmem>>
      %dma_wait3A_60 = arith.constant 0 : i32
      %dma_wait3A_61 = arith.constant 0 : i32
      %dma_wait3A_62 = tpu.memref_slice %arg2[%dma_wait3A_60, %dma_wait3A_61] : memref<65536x512xf32, #tpu.memory_space<hbm>> -> memref<65536x512xf32, #tpu.memory_space<hbm>>
      tpu.wait_indirect_dma semaphore(%arg17 : memref<!tpu.dma_semaphore, #tpu.memory_space<semaphore_mem>>) src(%dma_wait3A_62 : memref<65536x512xf32, #tpu.memory_space<hbm>>) dst(%arg11 : memref<64x512xf32, #tpu.memory_space<vmem>>)
      %add3A_63 = arith.constant 128 : i32
      %add3A_64 = arith.addi %mul3A_8, %add3A_63 : i32
      %dma_start3A_65 = arith.constant 0 : i32
      %dma_start3A_66 = tpu.memref_slice %arg5[%add3A_64, %dma_start3A_65] : memref<16384x512xf32, #tpu.memory_space<hbm>> -> memref<64x512xf32, #tpu.memory_space<hbm>>
      %dma_start3A_67 = arith.constant 0 : i32
      %dma_start3A_68 = tpu.memref_slice %arg5[%add3A_64, %dma_start3A_67] : memref<16384x512xf32, #tpu.memory_space<hbm>> -> memref<64x512xf32, #tpu.memory_space<hbm>>
      tpu.enqueue_dma source(%arg11 : memref<64x512xf32, #tpu.memory_space<vmem>>) target(%dma_start3A_68 : memref<64x512xf32, #tpu.memory_space<hbm>>) target_semaphore(%arg20 : memref<!tpu.dma_semaphore, #tpu.memory_space<semaphore_mem>>)
      %dma_wait3A_69 = arith.constant 0 : i32
      %dma_wait3A_70 = tpu.memref_slice %arg5[%add3A_44, %dma_wait3A_69] : memref<16384x512xf32, #tpu.memory_space<hbm>> -> memref<64x512xf32, #tpu.memory_space<hbm>>
      %dma_wait3A_71 = arith.constant 0 : i32
      %dma_wait3A_72 = tpu.memref_slice %arg5[%add3A_44, %dma_wait3A_71] : memref<16384x512xf32, #tpu.memory_space<hbm>> -> memref<64x512xf32, #tpu.memory_space<hbm>>
      tpu.wait_dma2 semaphore(%arg19 : memref<!tpu.dma_semaphore, #tpu.memory_space<semaphore_mem>>) src(%arg10 : memref<64x512xf32, #tpu.memory_space<vmem>>) dst(%dma_wait3A_72 : memref<64x512xf32, #tpu.memory_space<hbm>>)
      %dma_start3A_73 = arith.constant 256 : i32
      %dma_start3A_74 = tpu.memref_slice %arg8[%dma_start3A_73] : memref<704xi32, #tpu.memory_space<vmem>> -> memref<64xi32, #tpu.memory_space<vmem>>
      %dma_start3A_75 = arith.constant 0 : i32
      %dma_start3A_76 = arith.constant 0 : i32
      %dma_start3A_77 = tpu.memref_slice %arg2[%dma_start3A_75, %dma_start3A_76] : memref<65536x512xf32, #tpu.memory_space<hbm>> -> memref<65536x512xf32, #tpu.memory_space<hbm>>
      tpu.enqueue_indirect_dma source(%dma_start3A_77 : memref<65536x512xf32, #tpu.memory_space<hbm>>) target(%arg10 : memref<64x512xf32, #tpu.memory_space<vmem>>) offsets(%dma_start3A_74 : memref<64xi32, #tpu.memory_space<vmem>>) semaphore(%arg16 : memref<!tpu.dma_semaphore, #tpu.memory_space<semaphore_mem>>)
      %dma_wait3A_78 = arith.constant 192 : i32
      %dma_wait3A_79 = tpu.memref_slice %arg8[%dma_wait3A_78] : memref<704xi32, #tpu.memory_space<vmem>> -> memref<64xi32, #tpu.memory_space<vmem>>
      %dma_wait3A_80 = arith.constant 0 : i32
      %dma_wait3A_81 = arith.constant 0 : i32
      %dma_wait3A_82 = tpu.memref_slice %arg2[%dma_wait3A_80, %dma_wait3A_81] : memref<65536x512xf32, #tpu.memory_space<hbm>> -> memref<65536x512xf32, #tpu.memory_space<hbm>>
      tpu.wait_indirect_dma semaphore(%arg15 : memref<!tpu.dma_semaphore, #tpu.memory_space<semaphore_mem>>) src(%dma_wait3A_82 : memref<65536x512xf32, #tpu.memory_space<hbm>>) dst(%arg9 : memref<64x512xf32, #tpu.memory_space<vmem>>)
      %add3A_83 = arith.constant 192 : i32
      %add3A_84 = arith.addi %mul3A_8, %add3A_83 : i32
      %dma_start3A_85 = arith.constant 0 : i32
      %dma_start3A_86 = tpu.memref_slice %arg5[%add3A_84, %dma_start3A_85] : memref<16384x512xf32, #tpu.memory_space<hbm>> -> memref<64x512xf32, #tpu.memory_space<hbm>>
      %dma_start3A_87 = arith.constant 0 : i32
      %dma_start3A_88 = tpu.memref_slice %arg5[%add3A_84, %dma_start3A_87] : memref<16384x512xf32, #tpu.memory_space<hbm>> -> memref<64x512xf32, #tpu.memory_space<hbm>>
      tpu.enqueue_dma source(%arg9 : memref<64x512xf32, #tpu.memory_space<vmem>>) target(%dma_start3A_88 : memref<64x512xf32, #tpu.memory_space<hbm>>) target_semaphore(%arg18 : memref<!tpu.dma_semaphore, #tpu.memory_space<semaphore_mem>>)
      %dma_wait3A_89 = arith.constant 256 : i32
      %dma_wait3A_90 = tpu.memref_slice %arg8[%dma_wait3A_89] : memref<704xi32, #tpu.memory_space<vmem>> -> memref<64xi32, #tpu.memory_space<vmem>>
      %dma_wait3A_91 = arith.constant 0 : i32
      %dma_wait3A_92 = arith.constant 0 : i32
      %dma_wait3A_93 = tpu.memref_slice %arg2[%dma_wait3A_91, %dma_wait3A_92] : memref<65536x512xf32, #tpu.memory_space<hbm>> -> memref<65536x512xf32, #tpu.memory_space<hbm>>
      tpu.wait_indirect_dma semaphore(%arg16 : memref<!tpu.dma_semaphore, #tpu.memory_space<semaphore_mem>>) src(%dma_wait3A_93 : memref<65536x512xf32, #tpu.memory_space<hbm>>) dst(%arg10 : memref<64x512xf32, #tpu.memory_space<vmem>>)
      %add3A_94 = arith.constant 256 : i32
      %add3A_95 = arith.addi %mul3A_8, %add3A_94 : i32
      %dma_start3A_96 = arith.constant 0 : i32
      %dma_start3A_97 = tpu.memref_slice %arg5[%add3A_95, %dma_start3A_96] : memref<16384x512xf32, #tpu.memory_space<hbm>> -> memref<64x512xf32, #tpu.memory_space<hbm>>
      %dma_start3A_98 = arith.constant 0 : i32
      %dma_start3A_99 = tpu.memref_slice %arg5[%add3A_95, %dma_start3A_98] : memref<16384x512xf32, #tpu.memory_space<hbm>> -> memref<64x512xf32, #tpu.memory_space<hbm>>
      tpu.enqueue_dma source(%arg10 : memref<64x512xf32, #tpu.memory_space<vmem>>) target(%dma_start3A_99 : memref<64x512xf32, #tpu.memory_space<hbm>>) target_semaphore(%arg19 : memref<!tpu.dma_semaphore, #tpu.memory_space<semaphore_mem>>)
      %dma_wait3A_100 = arith.constant 0 : i32
      %dma_wait3A_101 = tpu.memref_slice %arg5[%add3A_64, %dma_wait3A_100] : memref<16384x512xf32, #tpu.memory_space<hbm>> -> memref<64x512xf32, #tpu.memory_space<hbm>>
      %dma_wait3A_102 = arith.constant 0 : i32
      %dma_wait3A_103 = tpu.memref_slice %arg5[%add3A_64, %dma_wait3A_102] : memref<16384x512xf32, #tpu.memory_space<hbm>> -> memref<64x512xf32, #tpu.memory_space<hbm>>
      tpu.wait_dma2 semaphore(%arg20 : memref<!tpu.dma_semaphore, #tpu.memory_space<semaphore_mem>>) src(%arg11 : memref<64x512xf32, #tpu.memory_space<vmem>>) dst(%dma_wait3A_103 : memref<64x512xf32, #tpu.memory_space<hbm>>)
      %dma_wait3A_104 = arith.constant 0 : i32
      %dma_wait3A_105 = tpu.memref_slice %arg5[%add3A_84, %dma_wait3A_104] : memref<16384x512xf32, #tpu.memory_space<hbm>> -> memref<64x512xf32, #tpu.memory_space<hbm>>
      %dma_wait3A_106 = arith.constant 0 : i32
      %dma_wait3A_107 = tpu.memref_slice %arg5[%add3A_84, %dma_wait3A_106] : memref<16384x512xf32, #tpu.memory_space<hbm>> -> memref<64x512xf32, #tpu.memory_space<hbm>>
      tpu.wait_dma2 semaphore(%arg18 : memref<!tpu.dma_semaphore, #tpu.memory_space<semaphore_mem>>) src(%arg9 : memref<64x512xf32, #tpu.memory_space<vmem>>) dst(%dma_wait3A_107 : memref<64x512xf32, #tpu.memory_space<hbm>>)
      %dma_wait3A_108 = arith.constant 0 : i32
      %dma_wait3A_109 = tpu.memref_slice %arg5[%add3A_95, %dma_wait3A_108] : memref<16384x512xf32, #tpu.memory_space<hbm>> -> memref<64x512xf32, #tpu.memory_space<hbm>>
      %dma_wait3A_110 = arith.constant 0 : i32
      %dma_wait3A_111 = tpu.memref_slice %arg5[%add3A_95, %dma_wait3A_110] : memref<16384x512xf32, #tpu.memory_space<hbm>> -> memref<64x512xf32, #tpu.memory_space<hbm>>
      tpu.wait_dma2 semaphore(%arg19 : memref<!tpu.dma_semaphore, #tpu.memory_space<semaphore_mem>>) src(%arg10 : memref<64x512xf32, #tpu.memory_space<vmem>>) dst(%dma_wait3A_111 : memref<64x512xf32, #tpu.memory_space<hbm>>)
      "tpu.region"() ({
        %run_scoped3A = tpu.sem_alloc : memref<!tpu.dma_semaphore, #tpu.memory_space<semaphore_mem>>
        %dma_start3A_139 = arith.constant 0 : i32
        %dma_start3A_140 = tpu.memref_slice %arg4[%add3A, %dma_start3A_139] : memref<16x1024xi32, #tpu.memory_space<hbm>> -> memref<1x1024xi32, #tpu.memory_space<hbm>>
        %dma_start3A_141 = tpu.memref_squeeze %dma_start3A_140 : memref<1x1024xi32, #tpu.memory_space<hbm>> -> memref<1024xi32, #tpu.memory_space<hbm>>
        %dma_start3A_142 = arith.constant 0 : i32
        %dma_start3A_143 = tpu.memref_slice %arg4[%add3A, %dma_start3A_142] : memref<16x1024xi32, #tpu.memory_space<hbm>> -> memref<1x1024xi32, #tpu.memory_space<hbm>>
        %dma_start3A_144 = tpu.memref_squeeze %dma_start3A_143 : memref<1x1024xi32, #tpu.memory_space<hbm>> -> memref<1024xi32, #tpu.memory_space<hbm>>
        tpu.enqueue_dma source(%dma_start3A_144 : memref<1024xi32, #tpu.memory_space<hbm>>) target(%arg13 : memref<1024xi32, #tpu.memory_space<vmem>>) target_semaphore(%run_scoped3A : memref<!tpu.dma_semaphore, #tpu.memory_space<semaphore_mem>>)
        %dma_wait3A_145 = arith.constant 0 : i32
        %dma_wait3A_146 = tpu.memref_slice %arg4[%add3A, %dma_wait3A_145] : memref<16x1024xi32, #tpu.memory_space<hbm>> -> memref<1x1024xi32, #tpu.memory_space<hbm>>
        %dma_wait3A_147 = tpu.memref_squeeze %dma_wait3A_146 : memref<1x1024xi32, #tpu.memory_space<hbm>> -> memref<1024xi32, #tpu.memory_space<hbm>>
        %dma_wait3A_148 = arith.constant 0 : i32
        %dma_wait3A_149 = tpu.memref_slice %arg4[%add3A, %dma_wait3A_148] : memref<16x1024xi32, #tpu.memory_space<hbm>> -> memref<1x1024xi32, #tpu.memory_space<hbm>>
        %dma_wait3A_150 = tpu.memref_squeeze %dma_wait3A_149 : memref<1x1024xi32, #tpu.memory_space<hbm>> -> memref<1024xi32, #tpu.memory_space<hbm>>
        tpu.wait_dma2 semaphore(%run_scoped3A : memref<!tpu.dma_semaphore, #tpu.memory_space<semaphore_mem>>) src(%dma_wait3A_150 : memref<1024xi32, #tpu.memory_space<hbm>>) dst(%arg13 : memref<1024xi32, #tpu.memory_space<vmem>>)
        tpu.yield
      }) : () -> ()
      %scan3A_112 = arith.constant 0 : i32
      %scan3A_113 = arith.constant 0 : i32
      %scan3A_114 = arith.constant 256 : i32
      %scan3A_115 = arith.addi %scan3A_113, %scan3A_114 : i32
      %scan3A_116 = arith.constant 1 : i32
      scf.for %scan3A_139 = %scan3A_113 to %scan3A_115 step %scan3A_116  : i32 {
        %broadcast_in_dim3A_140 = arith.constant -1 : i32
        %broadcast_in_dim3A_141 = vector.broadcast %broadcast_in_dim3A_140 : i32 to vector<16xi32>
        %mul3A_142 = arith.constant 16 : i32
        %mul3A_143 = arith.muli %scan3A_139, %mul3A_142 : i32
        %swap3A = arith.index_cast %mul3A_143 : i32 to index
        %swap3A_144 = tpu.vector_load %arg12[%swap3A] {strides = array<i32>} : memref<4096xi32, #tpu.memory_space<vmem>>, vector<16xi32>,
        tpu.vector_store %arg12[%swap3A], %broadcast_in_dim3A_141 {strides = array<i32>} : memref<4096xi32, #tpu.memory_space<vmem>>, vector<16xi32>,
      }
      %scan3A_117 = arith.constant 256 : i32
      %scan3A_118 = arith.constant 0 : i32
      %scan3A_119 = arith.constant 0 : i32
      %scan3A_120 = arith.constant 64 : i32
      %scan3A_121 = arith.addi %scan3A_119, %scan3A_120 : i32
      %scan3A_122 = arith.constant 1 : i32
      scf.for %scan3A_139 = %scan3A_119 to %scan3A_121 step %scan3A_122  : i32 {
        %mul3A_140 = arith.constant 16 : i32
        %mul3A_141 = arith.muli %scan3A_139, %mul3A_140 : i32
        %get3A = arith.index_cast %mul3A_141 : i32 to index
        %get3A_142 = tpu.vector_load %arg13[%get3A] {strides = array<i32>} : memref<1024xi32, #tpu.memory_space<vmem>>, vector<16xi32>,
        %and3A = arith.constant 255 : i32
        %and3A_143 = vector.broadcast %and3A : i32 to vector<16xi32>
        %and3A_144 = arith.andi %get3A_142, %and3A_143 : vector<16xi32>
        %mul3A_145 = arith.constant 16 : i32
        %mul3A_146 = vector.broadcast %mul3A_145 : i32 to vector<16xi32>
        %mul3A_147 = arith.muli %and3A_144, %mul3A_146 : vector<16xi32>
        %jit3A = arith.constant 256 : i32
        %div3A = vector.broadcast %jit3A : i32 to vector<16xi32>
        %div3A_148 = arith.divsi %get3A_142, %div3A : vector<16xi32>
        %sign3A = arith.constant 0 : i32
        %sign3A_149 = vector.broadcast %sign3A : i32 to vector<16xi32>
        %sign3A_150 = arith.cmpi sgt, %get3A_142, %sign3A_149 : vector<16xi32>
        %sign3A_151 = arith.extui %sign3A_150 : vector<16xi1> to vector<16xi32>
        %sign3A_152 = arith.constant 0 : i32
        %sign3A_153 = vector.broadcast %sign3A_152 : i32 to vector<16xi32>
        %sign3A_154 = arith.cmpi slt, %get3A_142, %sign3A_153 : vector<16xi32>
        %sign3A_155 = arith.extui %sign3A_154 : vector<16xi1> to vector<16xi32>
        %sign3A_156 = arith.subi %sign3A_151, %sign3A_155 : vector<16xi32>
        %sign3A_157 = arith.constant 0 : i32
        %sign3A_158 = arith.cmpi sgt, %jit3A, %sign3A_157 : i32
        %sign3A_159 = arith.extui %sign3A_158 : i1 to i32
        %sign3A_160 = arith.constant 0 : i32
        %sign3A_161 = arith.cmpi slt, %jit3A, %sign3A_160 : i32
        %sign3A_162 = arith.extui %sign3A_161 : i1 to i32
        %sign3A_163 = arith.subi %sign3A_159, %sign3A_162 : i32
        %ne3A = vector.broadcast %sign3A_163 : i32 to vector<16xi32>
        %ne3A_164 = arith.cmpi ne, %sign3A_156, %ne3A : vector<16xi32>
        %rem3A = vector.broadcast %jit3A : i32 to vector<16xi32>
        %rem3A_165 = arith.remsi %get3A_142, %rem3A : vector<16xi32>
        %ne3A_166 = arith.constant 0 : i32
        %ne3A_167 = vector.broadcast %ne3A_166 : i32 to vector<16xi32>
        %ne3A_168 = arith.cmpi ne, %rem3A_165, %ne3A_167 : vector<16xi32>
        %and3A_169 = arith.andi %ne3A_164, %ne3A_168 : vector<16xi1>
        %sub3A_170 = arith.constant 1 : i32
        %sub3A_171 = vector.broadcast %sub3A_170 : i32 to vector<16xi32>
        %sub3A_172 = arith.subi %div3A_148, %sub3A_171 : vector<16xi32>
        %select_n3A = arith.select %and3A_169, %sub3A_172, %div3A_148 : vector<16xi1>, vector<16xi32>
        %add3A_173 = arith.addi %mul3A_147, %select_n3A : vector<16xi32>
        %mul3A_174 = arith.constant 16 : i32
        %mul3A_175 = arith.muli %scan3A_139, %mul3A_174 : i32
        %add3A_176 = vector.broadcast %mul3A_175 : i32 to vector<16xi32>
        %add3A_177 = arith.addi %add3A_176, %iota3A : vector<16xi32>
        tpu.vector_store_idx %arg12[%add3A_173], %add3A_177 : memref<4096xi32, #tpu.memory_space<vmem>>[vector<16xi32>], vector<16xi32>,
      }
      %scan3A_123 = arith.constant 64 : i32
      %broadcast_in_dim3A = arith.constant 0 : i32
      %broadcast_in_dim3A_124 = vector.broadcast %broadcast_in_dim3A : i32 to vector<16xi32>
      %scan3A_125 = arith.constant 0 : i32
      %scan3A_126 = arith.constant 256 : i32
      %scan3A_127 = arith.addi %scan3A_125, %scan3A_126 : i32
      %scan3A_128 = arith.constant 1 : i32
      %scan3A_129 = scf.for %scan3A_139 = %scan3A_125 to %scan3A_127 step %scan3A_128 iter_args(%scan3A_140 = %broadcast_in_dim3A_124) -> (vector<16xi32>)  : i32 {
        %mul3A_141 = arith.constant 16 : i32
        %mul3A_142 = arith.muli %scan3A_139, %mul3A_141 : i32
        %get3A = arith.index_cast %mul3A_142 : i32 to index
        %get3A_143 = tpu.vector_load %arg12[%get3A] {strides = array<i32>} : memref<4096xi32, #tpu.memory_space<vmem>>, vector<16xi32>,
        %ge3A_144 = arith.constant 0 : i32
        %ge3A_145 = vector.broadcast %ge3A_144 : i32 to vector<16xi32>
        %ge3A_146 = arith.cmpi sge, %get3A_143, %ge3A_145 : vector<16xi32>
        %convert_element_type3A_147 = arith.extui %ge3A_146 : vector<16xi1> to vector<16xi32>
        %add3A_148 = arith.addi %scan3A_140, %convert_element_type3A_147 : vector<16xi32>
        scf.yield %add3A_148 : vector<16xi32>
      }
      %scan3A_130 = arith.constant 256 : i32
      %broadcast_in_dim3A_131 = arith.constant true
      %broadcast_in_dim3A_132 = vector.broadcast %broadcast_in_dim3A_131 : i1 to vector<16xi1>
      %masked_cumsum3A = tpu.scan <sum>, %scan3A_129 masked %broadcast_in_dim3A_132 : vector<16xi32>, vector<16xi1> -> vector<16xi32>
      %sub3A = arith.subi %masked_cumsum3A, %scan3A_129 : vector<16xi32>
      %scan3A_133 = arith.constant 0 : i32
      %scan3A_134 = arith.constant 256 : i32
      %scan3A_135 = arith.addi %scan3A_133, %scan3A_134 : i32
      %scan3A_136 = arith.constant 1 : i32
      %scan3A_137 = scf.for %scan3A_139 = %scan3A_133 to %scan3A_135 step %scan3A_136 iter_args(%scan3A_140 = %sub3A) -> (vector<16xi32>)  : i32 {
        %mul3A_141 = arith.constant 16 : i32
        %mul3A_142 = arith.muli %scan3A_139, %mul3A_141 : i32
        %get3A = arith.index_cast %mul3A_142 : i32 to index
        %get3A_143 = tpu.vector_load %arg12[%get3A] {strides = array<i32>} : memref<4096xi32, #tpu.memory_space<vmem>>, vector<16xi32>,
        %ge3A_144 = arith.constant 0 : i32
        %ge3A_145 = vector.broadcast %ge3A_144 : i32 to vector<16xi32>
        %ge3A_146 = arith.cmpi sge, %get3A_143, %ge3A_145 : vector<16xi32>
        tpu.vector_store_idx %arg14[%scan3A_140], %get3A_143 masked %ge3A_146 : memref<1024xi32, #tpu.memory_space<vmem>>[vector<16xi32>], vector<16xi32>, vector<16xi1>
        %convert_element_type3A_147 = arith.extui %ge3A_146 : vector<16xi1> to vector<16xi32>
        %add3A_148 = arith.addi %scan3A_140, %convert_element_type3A_147 : vector<16xi32>
        scf.yield %add3A_148 : vector<16xi32>
      }
      %scan3A_138 = arith.constant 256 : i32
      "tpu.region"() ({
        %run_scoped3A = tpu.sem_alloc : memref<!tpu.dma_semaphore, #tpu.memory_space<semaphore_mem>>
        %dma_start3A_139 = arith.constant 0 : i32
        %dma_start3A_140 = tpu.memref_slice %arg6[%add3A, %dma_start3A_139] : memref<16x1024xi32, #tpu.memory_space<hbm>> -> memref<1x1024xi32, #tpu.memory_space<hbm>>
        %dma_start3A_141 = tpu.memref_squeeze %dma_start3A_140 : memref<1x1024xi32, #tpu.memory_space<hbm>> -> memref<1024xi32, #tpu.memory_space<hbm>>
        %dma_start3A_142 = arith.constant 0 : i32
        %dma_start3A_143 = tpu.memref_slice %arg6[%add3A, %dma_start3A_142] : memref<16x1024xi32, #tpu.memory_space<hbm>> -> memref<1x1024xi32, #tpu.memory_space<hbm>>
        %dma_start3A_144 = tpu.memref_squeeze %dma_start3A_143 : memref<1x1024xi32, #tpu.memory_space<hbm>> -> memref<1024xi32, #tpu.memory_space<hbm>>
        tpu.enqueue_dma source(%arg14 : memref<1024xi32, #tpu.memory_space<vmem>>) target(%dma_start3A_144 : memref<1024xi32, #tpu.memory_space<hbm>>) target_semaphore(%run_scoped3A : memref<!tpu.dma_semaphore, #tpu.memory_space<semaphore_mem>>)
        %dma_wait3A_145 = arith.constant 0 : i32
        %dma_wait3A_146 = tpu.memref_slice %arg6[%add3A, %dma_wait3A_145] : memref<16x1024xi32, #tpu.memory_space<hbm>> -> memref<1x1024xi32, #tpu.memory_space<hbm>>
        %dma_wait3A_147 = tpu.memref_squeeze %dma_wait3A_146 : memref<1x1024xi32, #tpu.memory_space<hbm>> -> memref<1024xi32, #tpu.memory_space<hbm>>
        %dma_wait3A_148 = arith.constant 0 : i32
        %dma_wait3A_149 = tpu.memref_slice %arg6[%add3A, %dma_wait3A_148] : memref<16x1024xi32, #tpu.memory_space<hbm>> -> memref<1x1024xi32, #tpu.memory_space<hbm>>
        %dma_wait3A_150 = tpu.memref_squeeze %dma_wait3A_149 : memref<1x1024xi32, #tpu.memory_space<hbm>> -> memref<1024xi32, #tpu.memory_space<hbm>>
        tpu.wait_dma2 semaphore(%run_scoped3A : memref<!tpu.dma_semaphore, #tpu.memory_space<semaphore_mem>>) src(%arg14 : memref<1024xi32, #tpu.memory_space<vmem>>) dst(%dma_wait3A_150 : memref<1024xi32, #tpu.memory_space<hbm>>)
        tpu.yield
      }) : () -> ()
    } else {
    }
    return
  }
}

</mosaic_0001>

<sc_bundles>
// kernel: kernel.3.cloned.1.call-start
scs
__scs_entry_jumppad:
0x0: {  	(pc) =	sbr.rel $0x88, $3  }
0x1: {  	(tag) =	ssettag $0x0;
	lr =	simm.s32 $0x1  }
0x2: {  	[smem:$0x3F9F] =	sst lr;
	_ =	strace $0xD0000000  }
0x3: {  	_ = 	snop  }
0x4: {  	_ = 	snop  }
0x5: {  	_ = 	snop  }
0x6: {  	_ = 	snop  }
0x7: {  	_ = 	snop  }
__scs_overlays_trampoline_lowered:
0x8: {  	[smem:$0x3FAE] =	sst s0  }
0x9: {  	[smem:$0x3FAF] =	sst s1  }
0xa: {  	[smem:$0x3FB0] =	sst s2  }
0xb: {  	[smem:$0x3FB1] =	sst s3  }
0xc: {  	[smem:$0x3FB2] =	sst s4  }
0xd: {  	[smem:$0x3FB3] =	sst s5  }
0xe: {  	[smem:$0x3FB4] =	sst s6  }
0xf: {  	[smem:$0x3FB5] =	sst s7  }
0x10: {  	[smem:$0x3FB6] =	sst s8  }
0x11: {  	[smem:$0x3FB7] =	sst s9;
	s0 =	simm.s32 @!p0 $0x0  }
0x12: {  	s1 =	sld [smem:$0x3F9D];
	s0 =	simm.s32 @p0 $0x1  }
0x13: {  	[smem:$0x3FB8] =	sst s0;
	s0 =	simm.s32 @!p1 $0x0  }
0x14: {  	s2 =	sld [smem:$0x3F9C];
	s0 =	simm.s32 @p1 $0x1  }
0x15: {  	[smem:$0x3FB9] =	sst s0;
	s0 =	simm.s32 @!p2 $0x0  }
0x16: {  	s3 =	sld [smem:$0x3FDB];
	s0 =	simm.s32 @p2 $0x1  }
0x17: {  	s4 =	simm.s32 $0x1BF5;
	[smem:$0x3FBB] =	sst s0  }
0x18: {  	s0 =	sld [smem:$0x3F9E];
	_ =	swait.ge [sflag:s4], $0x0  }
0x19: {  	s7 =	sld [smem:$0x3F9F]  }
0x1a: {  	s8 =	sadd.s32 $0xFFFFE003, lr  }
0x1b: {  	s9 =	sadd.s32 $0xFFFFFEF7, lr;
	s5 =	simm.s32 $0xFFFFFFFF;
	p2 =	slt.u32 s8, $0xFFFFF086  }
0x1c: {  	p1 =	slt.u32 s9, $0xF7A;
	s5 =	simm.s32 @!p2 $0x0  }
0x1d: {  	s5 =	simm.s32 @p1 $0x1;
	p0 =	seq.s32 s7, s2  }
0x1e: {  	s7 =	smul.u32 @!p0 $0xF7A, s2;
	p2 =	seq.s32 @!p0 s5, $0x0  }
0x1f: {  	s9 =	smul.u32 $0xF7A, s1;
	s8 =	simm.s32 @!p0 $0x1BF5;
	p2 =	por !p2, p0  }
0x20: {  	[sflag:s8] =	ssyncset.s32 @!p0 $0xFFFFF086;
	s6 =	sadd.s32 @!p0 s3, s7;
	s7 =	simm.s32 @!p0 $0x108  }
0x21: {  	s3 =	sadd.s32 s3, s9;
	s6 =	sadd.s32 @!p0 $0x88, s6;
	s7 =	simm.s32 @p2 $0x1082  }
0x22: {  	[simem:s7], [sflag:s8] =	dma.local @!p0 [hbm:s6], $0xF7A  }
0x23: {  	s9 =	sor.u32 $0xD0000000, s2;
	s6 =	simm.s32 $0x108;
	_ =	swait.ge @!p0 [sflag:s8], $0x0  }
0x24: {  	s3 =	sadd.s32 $0x88, s3;
	s6 =	simm.s32 @!p1 $0x1082;
	[sflag:s4] =	ssyncset.s32 $0xFFFFF086  }
0x25: {  	[simem:s6], [sflag:s4] =	dma.local [hbm:s3], $0xF7A  }
0x26: {  	[smem:$0x3F9F] =	sst s1;
	(tag) =	ssettag s2;
	_ =	strace s9  }
0x27: {  	s1 =	sld [smem:$0x3FAF]  }
0x28: {  	s2 =	sld [smem:$0x3FB0]  }
0x29: {  	s4 =	sld [smem:$0x3FB2]  }
0x2a: {  	p0 =	seq.s32 s5, $0x0;
	s5 =	sld [smem:$0x3FB3]  }
0x2b: {  	s6 =	sld [smem:$0x3FB4]  }
0x2c: {  	s7 =	sld [smem:$0x3FB5]  }
0x2d: {  	s3 =	simm.s32 $0x108;
	s8 =	sld [smem:$0x3FB6]  }
0x2e: {  	s3 =	simm.s32 @!p0 $0x1082;
	s9 =	sld [smem:$0x3FB7]  }
0x2f: {  	lr =	sadd.s32 s0, s3;
	s0 =	sld [smem:$0x3FAE]  }
0x30: {  	s3 =	sld [smem:$0x3FB1]  }
0x31: {  	[smem:$0x3FBA] =	sst s10  }
0x32: {  	s10 =	sld [smem:$0x3FB8];
	_ =	sdelay $0x3  }
0x33: {  	p0 =	seq.s32 s10, $0x1;
	s10 =	sld [smem:$0x3FBA];
	_ =	sdelay $0x3  }
0x34: {  	[smem:$0x3FBA] =	sst s10  }
0x35: {  	s10 =	sld [smem:$0x3FB9];
	_ =	sdelay $0x3  }
0x36: {  	p1 =	seq.s32 s10, $0x1;
	s10 =	sld [smem:$0x3FBA];
	_ =	sdelay $0x3  }
0x37: {  	[smem:$0x3FBA] =	sst s10  }
0x38: {  	s10 =	sld [smem:$0x3FBB]  }
0x39: {  	_ = 	snop;
	(pc) =	sbr.ind lr, $3  }
0x3a: {  	_ = 	snop  }
0x3b: {  	_ = 	snop  }
0x3c: {  	p2 =	seq.s32 s10, $0x1;
	s10 =	sld [smem:$0x3FBA]  }
0x3d: {  	_ =	shalt  }
0x3e: {  	_ =	shalt  }
0x3f: {  	_ =	shalt  }
0x40: {  	_ =	shalt  }
0x41: {  	_ =	shalt  }
0x42: {  	_ =	shalt  }
0x43: {  	_ =	shalt  }
0x44: {  	_ =	shalt  }
0x45: {  	_ =	shalt  }
0x46: {  	_ =	shalt  }
0x47: {  	_ =	shalt  }
0x48: {  	_ =	shalt  }
0x49: {  	_ =	shalt  }
0x4a: {  	_ =	shalt  }
0x4b: {  	_ =	shalt  }
0x4c: {  	_ =	shalt  }
0x4d: {  	_ =	shalt  }
0x4e: {  	_ =	shalt  }
0x4f: {  	_ =	shalt  }
0x50: {  	_ =	shalt  }
0x51: {  	_ =	shalt  }
0x52: {  	_ =	shalt  }
0x53: {  	_ =	shalt  }
0x54: {  	_ =	shalt  }
0x55: {  	_ =	shalt  }
0x56: {  	_ =	shalt  }
0x57: {  	_ =	shalt  }
0x58: {  	_ =	shalt  }
0x59: {  	_ =	shalt  }
0x5a: {  	_ =	shalt  }
0x5b: {  	_ =	shalt  }
0x5c: {  	_ =	shalt  }
0x5d: {  	_ =	shalt  }
0x5e: {  	_ =	shalt  }
0x5f: {  	_ =	shalt  }
0x60: {  	_ =	shalt  }
0x61: {  	_ =	shalt  }
0x62: {  	_ =	shalt  }
0x63: {  	_ =	shalt  }
0x64: {  	_ =	shalt  }
0x65: {  	_ =	shalt  }
0x66: {  	_ =	shalt  }
0x67: {  	_ =	shalt  }
0x68: {  	_ =	shalt  }
0x69: {  	_ =	shalt  }
0x6a: {  	_ =	shalt  }
0x6b: {  	_ =	shalt  }
0x6c: {  	_ =	shalt  }
0x6d: {  	_ =	shalt  }
0x6e: {  	_ =	shalt  }
0x6f: {  	_ =	shalt  }
0x70: {  	_ =	shalt  }
0x71: {  	_ =	shalt  }
0x72: {  	_ =	shalt  }
0x73: {  	_ =	shalt  }
0x74: {  	_ =	shalt  }
0x75: {  	_ =	shalt  }
0x76: {  	_ =	shalt  }
0x77: {  	_ =	shalt  }
0x78: {  	_ =	shalt  }
0x79: {  	_ =	shalt  }
0x7a: {  	_ =	shalt  }
0x7b: {  	_ =	shalt  }
0x7c: {  	_ =	shalt  }
0x7d: {  	_ =	shalt  }
0x7e: {  	_ =	shalt  }
0x7f: {  	_ =	shalt  }
0x80: {  	_ =	shalt  }
0x81: {  	_ =	shalt  }
0x82: {  	_ =	shalt  }
0x83: {  	_ =	shalt  }
0x84: {  	_ =	shalt  }
0x85: {  	_ =	shalt  }
0x86: {  	_ =	shalt  }
0x87: {  	_ =	shalt  }
.Lfunc_end0:
.L_simem_size_0:
called_computation_lowered:
.L_overlay_start_0:
0x88: {  	s2 =	sld [smem:$0x3FD9]  }
0x89: {  	s3 =	sld [smem:$0x3FFE];
	_ =	sdelay $0x1  }
0x8a: {  	s1 =	srdreg.scid  }
0x8b: {  	s0 =	sand.u32 $0x1, s1  }
0x8c: {  	s14 =	sshll.u32 s0, $0xA;
	s2 =	sadd.s32 s3, s2  }
0x8d: {  	s2 =	sadd.s32 s2, s14  }
0x8e: {  	[smem:$0x3FC6] =	sst s2  }
0x8f: {  	_ = 	snop  }
0x90: {  	s2 =	sld [smem:$0x3FD0];
	_ =	sdelay $0x2  }
0x91: {  	s4 =	simm.s32 $0xA;
	s5 =	simm.s32 $0x10;
	s15 =	sld [smem:$0x3FC9]  }
0x92: {  	[smem:s5], [sflag:s4] =	dma.local [hbm:s2], $0x1  }
0x93: {  	_ =	swait.eq [sflag:s4], $0x1  }
0x94: {  	[sflag:s4] =	ssyncset.done $0x0  }
0x95: {  	s16 =	sld [smem:$0x10];
	[sflag:s4] =	ssyncadd.s32 $0xFFFFFFFF  }
0x96: {  	s17 =	sld [smem:$0x12];
	(tm) =	ssettm $0x1  }
0x97: {  	s18 =	sld [smem:$0x3FFB];
	_ =	sdelay $0x3  }
0x98: {  	_ =	strace s18  }
0x99: {  	s5 =	sld [smem:$0x3FFC];
	_ =	sdelay $0x3  }
0x9a: {  	_ =	strace s5  }
0x9b: {  	s5 =	sld [smem:$0x3FFD];
	_ =	sdelay $0x3  }
0x9c: {  	_ =	strace s5  }
0x9d: {  	_ =	strace $0x8FFFFFFF  }
0x9e: {  	s19 =	sld [smem:$0x3FDB];
	_ =	sdelay $0x1  }
0x9f: {  	s6 =	simm.s32 $_scs_section_size  }
0xa0: {  	s7 =	simm.s32 $_size__tile_overlayer_lowered;
	s8 =	simm.s32 $_tile_overlayer_lowered  }
0xa1: {  	s22 =	simm.s32 $0x1BFF;
	s21 =	sshll.u32 s8, $0x1;
	s5 =	sadd.s32 s6, s19  }
0xa2: {  	s9 =	simm.s32 $0x0;
	s20 =	sshll.u32 s7, $0x1;
	s7 =	sadd.s32 s21, s5  }
0xa3: {  	[timem:s9], [sflag:s22] =	dma.local [hbm:s7], s20  }
0xa4: {  	_ =	swait.ge [sflag:s22], s20  }
0xa5: {  	s6 =	ssub.s32 $0x0, s20;
	[sflag:s22] =	ssyncset.done $0x0  }
0xa6: {  	[sflag:s22] =	ssyncadd.s32 s6;
	_ =	sdelay $0x1  }
0xa7: {  	s23 =	simm.s32 $0x1B8B  }
0xa8: {  	_ =	swait.ge [sflag:s23], $0x1  }
0xa9: {  	[sflag:s23] =	ssyncset.done $0x0  }
0xaa: {  	s25 =	simm.s32 $0x1B8E;
	s24 =	sld [smem:$0x3FFE];
	[sflag:s23] =	ssyncadd.s32 $0xFFFFFFFF  }
0xab: {  	s26 =	simm.s32 $execute0_lowered;
	[smem:$0x3FD2] =	sst s25  }
0xac: {  	s7 =	sshll.u32 s26, $0x1;
	_ =	strace $0x80000046;
	[dreg:$0x1] =	wrdreg $0xFFFFFFFF  }
0xad: {  	s28 =	simm.s32 $_size_execute0_lowered;
	s5 =	sadd.s32 s5, s7;
	[dreg:$0x0] =	wrdreg $0x0  }
0xae: {  	s7 =	sshll.u32 s28, $0x1;
	[dreg:$0x2] =	wrdreg s5  }
0xaf: {  	[dreg:$0x3] =	wrdreg s7  }
0xb0: {  	[dreg:$0x4] =	wrdreg $0xC0  }
0xb1: {  	_ =	task [dreg:s9], $0x5FFFF  }
0xb2: {  	[dreg:$0x1] =	wrdreg $0xFFFFFFFF  }
0xb3: {  	[dreg:$0x0] =	wrdreg $0x60  }
0xb4: {  	[dreg:$0x2] =	wrdreg s15  }
0xb5: {  	[dreg:$0x3] =	wrdreg s24  }
0xb6: {  	[dreg:$0x4] =	wrdreg s16  }
0xb7: {  	[dreg:$0x5] =	wrdreg s17  }
0xb8: {  	[dreg:$0x6] =	wrdreg $0x9  }
0xb9: {  	_ =	task.clear_ibuf [dreg:s9], $0x7FFFF;
	_ =	strace $0x90000046  }
0xba: {  	s29 =	simm.s32 $0x9;
	_ =	strace $0x80000048  }
0xbb: {  	_ =	swait.ge [sflag:s29], $0x1  }
0xbc: {  	[sflag:s29] =	ssyncadd.s32 $0xFFFFFFFF  }
0xbd: {  	_ =	strace $0x90000048  }
0xbe: {  	_ =	sfence  }
0xbf: {  	s30 =	sld [smem:$0x0];
	_ =	sdelay $0x2  }
0xc0: {  	s31 =	sshll.u32 s1, $0xD;
	s1 =	sshrl.u32 s1, $0x2  }
0xc1: {  	s3 =	sand.u32 $0x4000, s31;
	s1 =	sadd.s32 s1, s30  }
0xc2: {  	s0 =	sor.u32 s3, s0;
	s1 =	sshll.u32 s1, $0x11  }
0xc3: {  	s0 =	sor.u32 s1, s0  }
0xc4: {  	s0 =	sadd.s32 $0x8F2B, s0  }
0xc5: {  	[sflag:s0] =	ssyncadd.remote.s32 $0x1  }
0xc6: {  	_ =	sfence.sel $0xFFFF  }
0xc7: {  	[dreg:$0x0] =	wrdreg $0xFFFFFFFF;
	(pc) =	sbr.abs _section_cstart, $3  }
0xc8: {  	[dreg:$0x1] =	wrdreg $0xFFFFFFFF  }
0xc9: {  	_ =	task.clear_ibuf [dreg:s9], $0x2FFFF;
	_ =	strace $0x9FFFFFFF  }
0xca: {  	(tm) =	ssettm $0x7FFFFFFF  }
0xcb: {  	_ =	shalt  }
tec
execute0_lowered:
.L_overlay_start_1:
0x0: {  	(tag) =	ssettag $0x1  }
0x1: {  	s1 =	rddreg [dreg:$0x0]  }
0x2: {  	s2 =	rddreg [dreg:$0x1]  }
0x3: {  	s5 =	srdreg.scid;
	s13 =	stileid.u32  }
0x4: {  	s0 =	rddreg [dreg:$0x2];
	s5 =	sand.u32 $0x1, s5;
	s6 =	sshll.u32 s13, $0x1  }
0x5: {  	s4 =	rddreg [dreg:$0x3];
	s3 =	simm.s32 $0x0;
	s6 =	sor.u32 s5, s6  }
0x6: {  	s28 =	simm.s32 $0x600;
	[smem:$0x7FF] =	sst s3;
	s22 =	smul.u32 $0x28, s6  }
0x7: {  	s7 =	sadd.s32 $0x1200, s2;
	s8 =	sshll.u32 s13, $0x8;
	s11 =	smul.u32 $0x28000, s6  }
0x8: {  	p0 =	slt.u32 s13, $0x8;
	s13 =	simm.s32 $0x19A00;
	s12 =	smul.u32 $0x5000, s6  }
0x9: {  	_ =	strace $0x80000047;
	s5 =	ssub.s32 $0x2, s5;
	s25 =	smul.u32 $0x2C0, s6  }
0xa: {  	s9 =	sshll.u32 s6, $0x4;
	s10 =	sshrl.u32 s5, $0x1;
	s6 =	smul.u32 $0x58000, s6  }
0xb: {  	s8 =	sor.u32 s8, s9;
	s10 =	ssub.s32 s5, s10;
	s5 =	sadd.s32 $0x100, s1  }
0xc: {  	s8 =	sand.u32 $0xC70, s8;
	s23 =	sadd.s32 s7, s22;
	s24 =	sshrl.u32 s11, $0x3  }
0xd: {  	s12 =	sadd.s32 s0, s12;
	s30 =	sadd.s32 $0xFFFFE800, s25;
	s31 =	sadd.s32 $0xFFD08000, s6  }
0xe: {  	s14 =	sadd.s32 $0xFFD18000, s6;
	s15 =	sadd.s32 $0xFFD20000, s6;
	s18 =	sadd.s32 $0xFFD28000, s6  }
0xf: {  	s19 =	sadd.s32 $0xFFD30000, s6;
	s20 =	sadd.s32 $0xFFD38000, s6;
	[dreg:$0x5] =	wrdreg s23  }
0x10: {  	s2 =	sadd.s32 s8, s2;
	s9 =	sadd.s32 s0, s24;
	[dreg:$0x6] =	wrdreg s12  }
0x11: {  	s4 =	sadd.s32 s4, s8;
	s11 =	sshrl.u32 s30, $0x3;
	s8 =	sshrl.u32 s31, $0x3  }
0x12: {  	s12 =	sadd.s32 $0xFFD10000, s6;
	s23 =	sadd.s32 $0xFFD40000, s6;
	s24 =	sadd.s32 $0xFFD48000, s6  }
0x13: {  	s6 =	sadd.s32 $0xFFD50000, s6;
	s31 =	smax.u32 s10, $0x1;
	[dreg:$0x9] =	wrdreg s4  }
0x14: {  	s10 =	simm.s32 $0x5;
	s26 =	sadd.s32 $0x1000, s9;
	[dreg:$0x19] =	wrdreg s31  }
0x15: {  	s29 =	sadd.s32 $0x2000, s9;
	s4 =	sshll.u32 s30, $0x6;
	[dreg:$0x7] =	wrdreg s26  }
0x16: {  	s7 =	sadd.s32 s7, s11;
	s11 =	sadd.s32 s0, s8;
	[dreg:$0x8] =	wrdreg s29  }
0x17: {  	s8 =	sshrl.u32 s15, $0x3;
	s6 =	sshrl.u32 s6, $0x3;
	[dreg:$0xa] =	wrdreg s7  }
0x18: {  	s30 =	sadd.s32 $0xA00, s2;
	s15 =	simm.s32 $0x8600;
	[dreg:$0xc] =	wrdreg s11  }
0x19: {  	s4 =	sadd.s32 s0, s4;
	s7 =	sshrl.u32 s14, $0x3;
	[dreg:$0x18] =	wrdreg s30  }
0x1a: {  	s17 =	sadd.s32 s0, s8;
	s8 =	sshrl.u32 s20, $0x3;
	[dreg:$0xb] =	wrdreg s4  }
0x1b: {  	s26 =	sadd.s32 $0x3000, s9;
	s29 =	sadd.s32 $0x4000, s9;
	[dreg:$0xf] =	wrdreg s17  }
0x1c: {  	s14 =	simm.s32 $0x0;
	s4 =	sshrl.u32 s12, $0x3;
	[dreg:$0x16] =	wrdreg s26  }
0x1d: {  	s16 =	sadd.s32 s0, s7;
	s7 =	sshrl.u32 s19, $0x3;
	[dreg:$0x17] =	wrdreg s29  }
0x1e: {  	s22 =	sadd.s32 s0, s8;
	s26 =	simm.s32 $0x7;
	[dreg:$0xe] =	wrdreg s16  }
0x1f: {  	s4 =	sadd.s32 s0, s4;
	s21 =	sadd.s32 s0, s7;
	[dreg:$0x12] =	wrdreg s22  }
0x20: {  	s7 =	sshrl.u32 s24, $0x3;
	[dreg:$0xd] =	wrdreg s4;
	s4 =	sshrl.u32 s18, $0x3  }
.Ltmp0:
0x21: {  	[dreg:$0x11] =	wrdreg s21;
	s4 =	sadd.s32 s0, s4;
	(pc) =	sbr.rel .LBB2_1-.Ltmp0, $4  }
0x22: {  	s25 =	sadd.s32 s0, s7;
	[dreg:$0x10] =	wrdreg s4;
	s4 =	sshrl.u32 s23, $0x3  }
0x23: {  	v0 =	vlaneseq.u32;
	vm0 =	vmmov $0xffff;
	s8 =	simm.s32 $0x4;
	[dreg:$0x14] =	wrdreg s25;
	s4 =	sadd.s32 s0, s4  }
0x24: {  	v4 =	vimm.s32 $0xFFFFFFFF;
	v5 =	vimm.s32 $0x0;
	v2 =	vshrl.u32 v0, $0x3;
	s12 =	simm.s32 $0x18600;
	s0 =	sadd.s32 s0, s6;
	[dreg:$0x13] =	wrdreg s4  }
0x25: {  	v1 =	vand.u32 $0x7, v0;
	v3 =	vor.u32 $0x8, v0;
	v2 =	vmul.u32 $0x8, v2;
	s7 =	simm.s32 $0x2;
	s6 =	simm.s32 $0x1;
	[dreg:$0x15] =	wrdreg s0  }
.LBB2_15:
0x26: {  	v6 =	vld [tilespmem:s17+$0x18600];
	_ =	sdelay $0x4  }
0x27: {  	vm1 =	vgt.s32 v6, $0xFFFFFFFF;
	_ =	sdelay $0x5  }
0x28: {  	s16 =	rddreg [dreg:$0x9];
	s0 =	simm.s32 $0x80;
	s2 =	simm.s32 $0x400;
	[tilespmem:v7+s13+$0x0] =	vst.idx.msk vm1, v6  }
0x29: {  	[hbm4b:s16+s0] =	stream.strided.scatter [tilespmem:s13], [sflag:$0x7], $0x400, s2, s0, $0x38;
	[tilespmem:$0x19E00] =	vst v63  }
0x2a: {  	_ =	swait.ge [sflag:s26], $0x400  }
0x2b: {  	[sflag:s26] =	ssyncset.done $0x0  }
0x2c: {  	[sflag:s26] =	ssyncadd.s32 $0xFFFFFC00  }
.LBB2_16:
0x2d: {  	s14 =	sadd.s32 $0x1, s14;
	s16 =	rddreg [dreg:$0x19]  }
0x2e: {  	p1 =	sne.s32 s14, s16  }
.Ltmp1:
0x2f: {  	_ = 	snop;
	(pc) =	sbr.rel @!p1 .LBB2_17-.Ltmp1, $1  }
0x30: {  	_ =	sdelay $0x3  }
.LBB2_1:
.Ltmp2:
0x31: {  	(pc) =	sbr.rel @p0 .LBB2_5-.Ltmp2, $2  }
0x32: {  	_ =	sdelay $0x2  }
0x33: {  	s16 =	simm.s32 $0x0  }
0x34: {  	s17 =	rddreg [dreg:$0xa]  }
0x35: {  	[tilespmem:s16], [sflag:$0x7] =	stream.linear.gather [hbm4b:s17+s16], $0x2C0, $0x38;
	[tilespmem:$0x19E00] =	vst v63  }
0x36: {  	_ =	swait.ge [sflag:s26], $0x2C0  }
0x37: {  	[sflag:s26] =	ssyncset.done $0x0  }
0x38: {  	s16 =	simm.s32 $0x0;
	[sflag:s26] =	ssyncadd.s32 $0xFFFFFD40  }
0x39: {  	v6 =	vld [tilespmem:s16+$0x0]  }
0x3a: {  	s17 =	simm.s32 $0x40  }
.LBB2_3:
0x3b: {  	p1 =	sne.s32 s17, $0xAC0  }
.Ltmp3:
0x3c: {  	_ = 	snop;
	(pc) =	sbr.rel @p1 .LBB2_3-.Ltmp3, $4  }
0x3d: {  	_ = 	snop  }
0x3e: {  	s18 =	sshra.s32 s17, $0x2;
	s17 =	sadd.s32 $0x40, s17;
	v7 =	vshll.u32 v6, $0x4  }
0x3f: {  	v6 =	vld [tilespmem:s18+$0x0];
	v7 =	vor.u32 v0, v7  }
0x40: {  	[tilespmem:s16+$0x300] =	vst v7;
	s16 =	smov.u32 s18  }
0x41: {  	_ =	sdelay $0x2  }
0x42: {  	v6 =	vshll.u32 v6, $0x4  }
0x43: {  	v6 =	vor.u32 v0, v6  }
0x44: {  	[tilespmem:s16+$0x300] =	vst v6  }
0x45: {  	v6 =	vld [tilespmem:$0x300];
	_ =	sdelay $0x4  }
0x46: {  	v7 =	vshll.u32 v6, $0x2  }
0x47: {  	v6 =	vand.u32 $0x7, v6;
	v7 =	vand.u32 $0xFFFFFFE0, v7  }
0x48: {  	v6 =	vor.u32 v6, v7  }
0x49: {  	v7 =	vperm.xlane v6, v1;
	_ =	sdelay $0x1  }
0x4a: {  	v7 =	vadd.s32 v2, v7;
	_ =	sdelay $0x1  }
0x4b: {  	v6 =	vperm.xlane v6, v3;
	_ =	sdelay $0x1  }
0x4c: {  	v6 =	vadd.s32 v2, v6  }
0x4d: {  	[tilespmem:s28], [sflag:$0x1] =	stream.indirect_vreg.gather [hbm4b:s1+s3], $0x80, v7, vm0, $0xb8;
	[tilespmem:$0x19E00] =	vst v63  }
0x4e: {  	s0 =	simm.s32 $0xE00  }
0x4f: {  	[tilespmem:s0], [sflag:$0x1] =	stream.indirect_vreg.gather [hbm4b:s5+s3], $0x80, v7, vm0, $0xb8;
	[tilespmem:$0x19E00] =	vst v63  }
0x50: {  	s23 =	simm.s32 $0x1600  }
0x51: {  	[tilespmem:s23], [sflag:$0x1] =	stream.indirect_vreg.gather [hbm4b:s1+s3], $0x80, v6, vm0, $0xb8;
	[tilespmem:$0x19E00] =	vst v63  }
0x52: {  	s24 =	simm.s32 $0x1E00  }
0x53: {  	[tilespmem:s24], [sflag:$0x1] =	stream.indirect_vreg.gather [hbm4b:s5+s3], $0x80, v6, vm0, $0xb8;
	[tilespmem:$0x19E00] =	vst v63  }
0x54: {  	v6 =	vld [tilespmem:$0x310];
	_ =	sdelay $0x4  }
0x55: {  	v7 =	vshll.u32 v6, $0x2  }
0x56: {  	v6 =	vand.u32 $0x7, v6;
	v7 =	vand.u32 $0xFFFFFFE0, v7  }
0x57: {  	v6 =	vor.u32 v6, v7  }
0x58: {  	v7 =	vperm.xlane v6, v1;
	_ =	sdelay $0x1  }
0x59: {  	v7 =	vadd.s32 v2, v7;
	_ =	sdelay $0x1  }
0x5a: {  	v6 =	vperm.xlane v6, v3;
	_ =	sdelay $0x1  }
0x5b: {  	s25 =	simm.s32 $0x2600;
	v6 =	vadd.s32 v2, v6  }
0x5c: {  	[tilespmem:s25], [sflag:$0x1] =	stream.indirect_vreg.gather [hbm4b:s1+s3], $0x80, v7, vm0, $0xb8;
	[tilespmem:$0x19E00] =	vst v63  }
0x5d: {  	s29 =	simm.s32 $0x2E00  }
0x5e: {  	[tilespmem:s29], [sflag:$0x1] =	stream.indirect_vreg.gather [hbm4b:s5+s3], $0x80, v7, vm0, $0xb8;
	[tilespmem:$0x19E00] =	vst v63  }
0x5f: {  	s30 =	simm.s32 $0x3600  }
0x60: {  	[tilespmem:s30], [sflag:$0x1] =	stream.indirect_vreg.gather [hbm4b:s1+s3], $0x80, v6, vm0, $0xb8;
	[tilespmem:$0x19E00] =	vst v63  }
0x61: {  	s31 =	simm.s32 $0x3E00  }
0x62: {  	[tilespmem:s31], [sflag:$0x1] =	stream.indirect_vreg.gather [hbm4b:s5+s3], $0x80, v6, vm0, $0xb8;
	[tilespmem:$0x19E00] =	vst v63  }
0x63: {  	v6 =	vld [tilespmem:$0x320];
	_ =	sdelay $0x4  }
0x64: {  	v7 =	vshll.u32 v6, $0x2  }
0x65: {  	v6 =	vand.u32 $0x7, v6;
	v7 =	vand.u32 $0xFFFFFFE0, v7  }
0x66: {  	v6 =	vor.u32 v6, v7  }
0x67: {  	v7 =	vperm.xlane v6, v1;
	_ =	sdelay $0x1  }
0x68: {  	v7 =	vadd.s32 v2, v7;
	_ =	sdelay $0x1  }
0x69: {  	v6 =	vperm.xlane v6, v3;
	_ =	sdelay $0x1  }
0x6a: {  	s4 =	simm.s32 $0x4600;
	v6 =	vadd.s32 v2, v6  }
0x6b: {  	[tilespmem:s4], [sflag:$0x1] =	stream.indirect_vreg.gather [hbm4b:s1+s3], $0x80, v7, vm0, $0xb8;
	[tilespmem:$0x19E00] =	vst v63  }
0x6c: {  	s11 =	simm.s32 $0x4E00  }
0x6d: {  	[tilespmem:s11], [sflag:$0x1] =	stream.indirect_vreg.gather [hbm4b:s5+s3], $0x80, v7, vm0, $0xb8;
	[tilespmem:$0x19E00] =	vst v63  }
0x6e: {  	s16 =	simm.s32 $0x5600  }
0x6f: {  	[tilespmem:s16], [sflag:$0x1] =	stream.indirect_vreg.gather [hbm4b:s1+s3], $0x80, v6, vm0, $0xb8;
	[tilespmem:$0x19E00] =	vst v63  }
0x70: {  	s17 =	simm.s32 $0x5E00  }
0x71: {  	[tilespmem:s17], [sflag:$0x1] =	stream.indirect_vreg.gather [hbm4b:s5+s3], $0x80, v6, vm0, $0xb8;
	[tilespmem:$0x19E00] =	vst v63  }
0x72: {  	v6 =	vld [tilespmem:$0x330];
	_ =	sdelay $0x4  }
0x73: {  	v7 =	vshll.u32 v6, $0x2  }
0x74: {  	v6 =	vand.u32 $0x7, v6;
	v7 =	vand.u32 $0xFFFFFFE0, v7  }
0x75: {  	v6 =	vor.u32 v6, v7  }
0x76: {  	v7 =	vperm.xlane v6, v1;
	_ =	sdelay $0x1  }
0x77: {  	v7 =	vadd.s32 v2, v7;
	_ =	sdelay $0x1  }
0x78: {  	v6 =	vperm.xlane v6, v3;
	_ =	sdelay $0x1  }
0x79: {  	s18 =	simm.s32 $0x6600;
	v6 =	vadd.s32 v2, v6  }
0x7a: {  	[tilespmem:s18], [sflag:$0x1] =	stream.indirect_vreg.gather [hbm4b:s1+s3], $0x80, v7, vm0, $0xb8;
	[tilespmem:$0x19E00] =	vst v63  }
0x7b: {  	s19 =	simm.s32 $0x6E00  }
0x7c: {  	[tilespmem:s19], [sflag:$0x1] =	stream.indirect_vreg.gather [hbm4b:s5+s3], $0x80, v7, vm0, $0xb8;
	[tilespmem:$0x19E00] =	vst v63  }
0x7d: {  	s20 =	simm.s32 $0x7600  }
0x7e: {  	[tilespmem:s20], [sflag:$0x1] =	stream.indirect_vreg.gather [hbm4b:s1+s3], $0x80, v6, vm0, $0xb8;
	[tilespmem:$0x19E00] =	vst v63  }
0x7f: {  	s21 =	simm.s32 $0x7E00  }
0x80: {  	[tilespmem:s21], [sflag:$0x1] =	stream.indirect_vreg.gather [hbm4b:s5+s3], $0x80, v6, vm0, $0xb8;
	[tilespmem:$0x19E00] =	vst v63  }
0x81: {  	v6 =	vld [tilespmem:$0x340];
	_ =	sdelay $0x4  }
0x82: {  	v7 =	vshll.u32 v6, $0x2  }
0x83: {  	v6 =	vand.u32 $0x7, v6;
	v7 =	vand.u32 $0xFFFFFFE0, v7  }
0x84: {  	v6 =	vor.u32 v6, v7  }
0x85: {  	v7 =	vperm.xlane v6, v1;
	_ =	sdelay $0x1  }
0x86: {  	v7 =	vadd.s32 v2, v7;
	_ =	sdelay $0x1  }
0x87: {  	v6 =	vperm.xlane v6, v3;
	_ =	sdelay $0x1  }
0x88: {  	v6 =	vadd.s32 v2, v6  }
0x89: {  	[tilespmem:s15], [sflag:$0x2] =	stream.indirect_vreg.gather [hbm4b:s1+s3], $0x80, v7, vm0, $0xb8;
	[tilespmem:$0x19E00] =	vst v63  }
0x8a: {  	s22 =	simm.s32 $0x8E00  }
0x8b: {  	[tilespmem:s22], [sflag:$0x2] =	stream.indirect_vreg.gather [hbm4b:s5+s3], $0x80, v7, vm0, $0xb8;
	[tilespmem:$0x19E00] =	vst v63  }
0x8c: {  	s23 =	simm.s32 $0x9600  }
0x8d: {  	[tilespmem:s23], [sflag:$0x2] =	stream.indirect_vreg.gather [hbm4b:s1+s3], $0x80, v6, vm0, $0xb8;
	[tilespmem:$0x19E00] =	vst v63  }
0x8e: {  	s24 =	simm.s32 $0x9E00  }
0x8f: {  	[tilespmem:s24], [sflag:$0x2] =	stream.indirect_vreg.gather [hbm4b:s5+s3], $0x80, v6, vm0, $0xb8;
	[tilespmem:$0x19E00] =	vst v63  }
0x90: {  	v6 =	vld [tilespmem:$0x350];
	_ =	sdelay $0x4  }
0x91: {  	v7 =	vshll.u32 v6, $0x2  }
0x92: {  	v6 =	vand.u32 $0x7, v6;
	v7 =	vand.u32 $0xFFFFFFE0, v7  }
0x93: {  	v6 =	vor.u32 v6, v7  }
0x94: {  	v7 =	vperm.xlane v6, v1;
	_ =	sdelay $0x1  }
0x95: {  	v7 =	vadd.s32 v2, v7;
	_ =	sdelay $0x1  }
0x96: {  	v6 =	vperm.xlane v6, v3;
	_ =	sdelay $0x1  }
0x97: {  	s25 =	simm.s32 $0xA600;
	v6 =	vadd.s32 v2, v6  }
0x98: {  	[tilespmem:s25], [sflag:$0x2] =	stream.indirect_vreg.gather [hbm4b:s1+s3], $0x80, v7, vm0, $0xb8;
	[tilespmem:$0x19E00] =	vst v63  }
0x99: {  	s29 =	simm.s32 $0xAE00  }
0x9a: {  	[tilespmem:s29], [sflag:$0x2] =	stream.indirect_vreg.gather [hbm4b:s5+s3], $0x80, v7, vm0, $0xb8;
	[tilespmem:$0x19E00] =	vst v63  }
0x9b: {  	s30 =	simm.s32 $0xB600  }
0x9c: {  	[tilespmem:s30], [sflag:$0x2] =	stream.indirect_vreg.gather [hbm4b:s1+s3], $0x80, v6, vm0, $0xb8;
	[tilespmem:$0x19E00] =	vst v63  }
0x9d: {  	s31 =	simm.s32 $0xBE00  }
0x9e: {  	[tilespmem:s31], [sflag:$0x2] =	stream.indirect_vreg.gather [hbm4b:s5+s3], $0x80, v6, vm0, $0xb8;
	[tilespmem:$0x19E00] =	vst v63  }
0x9f: {  	v6 =	vld [tilespmem:$0x360];
	_ =	sdelay $0x4  }
0xa0: {  	v7 =	vshll.u32 v6, $0x2  }
0xa1: {  	v6 =	vand.u32 $0x7, v6;
	v7 =	vand.u32 $0xFFFFFFE0, v7  }
0xa2: {  	v6 =	vor.u32 v6, v7  }
0xa3: {  	v7 =	vperm.xlane v6, v1;
	_ =	sdelay $0x1  }
0xa4: {  	v7 =	vadd.s32 v2, v7;
	_ =	sdelay $0x1  }
0xa5: {  	v6 =	vperm.xlane v6, v3;
	_ =	sdelay $0x1  }
0xa6: {  	s11 =	simm.s32 $0xC600;
	v6 =	vadd.s32 v2, v6  }
0xa7: {  	[tilespmem:s11], [sflag:$0x2] =	stream.indirect_vreg.gather [hbm4b:s1+s3], $0x80, v7, vm0, $0xb8;
	[tilespmem:$0x19E00] =	vst v63  }
0xa8: {  	s16 =	simm.s32 $0xCE00  }
0xa9: {  	[tilespmem:s16], [sflag:$0x2] =	stream.indirect_vreg.gather [hbm4b:s5+s3], $0x80, v7, vm0, $0xb8;
	[tilespmem:$0x19E00] =	vst v63  }
0xaa: {  	s18 =	simm.s32 $0xD600  }
0xab: {  	[tilespmem:s18], [sflag:$0x2] =	stream.indirect_vreg.gather [hbm4b:s1+s3], $0x80, v6, vm0, $0xb8;
	[tilespmem:$0x19E00] =	vst v63  }
0xac: {  	s19 =	simm.s32 $0xDE00  }
0xad: {  	[tilespmem:s19], [sflag:$0x2] =	stream.indirect_vreg.gather [hbm4b:s5+s3], $0x80, v6, vm0, $0xb8;
	[tilespmem:$0x19E00] =	vst v63  }
0xae: {  	v6 =	vld [tilespmem:$0x370];
	_ =	sdelay $0x4  }
0xaf: {  	v7 =	vshll.u32 v6, $0x2  }
0xb0: {  	v6 =	vand.u32 $0x7, v6;
	v7 =	vand.u32 $0xFFFFFFE0, v7  }
0xb1: {  	v6 =	vor.u32 v6, v7  }
0xb2: {  	v7 =	vperm.xlane v6, v1;
	_ =	sdelay $0x1  }
0xb3: {  	v7 =	vadd.s32 v2, v7;
	_ =	sdelay $0x1  }
0xb4: {  	v6 =	vperm.xlane v6, v3;
	_ =	sdelay $0x1  }
0xb5: {  	s20 =	simm.s32 $0xE600;
	v6 =	vadd.s32 v2, v6  }
0xb6: {  	[tilespmem:s20], [sflag:$0x2] =	stream.indirect_vreg.gather [hbm4b:s1+s3], $0x80, v7, vm0, $0xb8;
	[tilespmem:$0x19E00] =	vst v63  }
0xb7: {  	s21 =	simm.s32 $0xEE00  }
0xb8: {  	[tilespmem:s21], [sflag:$0x2] =	stream.indirect_vreg.gather [hbm4b:s5+s3], $0x80, v7, vm0, $0xb8;
	[tilespmem:$0x19E00] =	vst v63  }
0xb9: {  	s22 =	simm.s32 $0xF600  }
0xba: {  	[tilespmem:s22], [sflag:$0x2] =	stream.indirect_vreg.gather [hbm4b:s1+s3], $0x80, v6, vm0, $0xb8;
	[tilespmem:$0x19E00] =	vst v63  }
0xbb: {  	s23 =	simm.s32 $0xFE00  }
0xbc: {  	[tilespmem:s23], [sflag:$0x2] =	stream.indirect_vreg.gather [hbm4b:s5+s3], $0x80, v6, vm0, $0xb8;
	[tilespmem:$0x19E00] =	vst v63  }
0xbd: {  	v6 =	vld [tilespmem:$0x380];
	_ =	sdelay $0x4  }
0xbe: {  	v7 =	vshll.u32 v6, $0x2  }
0xbf: {  	v6 =	vand.u32 $0x7, v6;
	v7 =	vand.u32 $0xFFFFFFE0, v7  }
0xc0: {  	v6 =	vor.u32 v6, v7  }
0xc1: {  	v7 =	vperm.xlane v6, v1;
	_ =	sdelay $0x1  }
0xc2: {  	v7 =	vadd.s32 v2, v7;
	_ =	sdelay $0x1  }
0xc3: {  	v6 =	vperm.xlane v6, v3;
	_ =	sdelay $0x1  }
0xc4: {  	s11 =	simm.s32 $0x10600;
	v6 =	vadd.s32 v2, v6  }
0xc5: {  	[tilespmem:s11], [sflag:$0x3] =	stream.indirect_vreg.gather [hbm4b:s1+s3], $0x80, v7, vm0, $0xb8;
	[tilespmem:$0x19E00] =	vst v63  }
0xc6: {  	s31 =	simm.s32 $0x10E00  }
0xc7: {  	[tilespmem:s31], [sflag:$0x3] =	stream.indirect_vreg.gather [hbm4b:s5+s3], $0x80, v7, vm0, $0xb8;
	[tilespmem:$0x19E00] =	vst v63  }
0xc8: {  	s24 =	simm.s32 $0x11600  }
0xc9: {  	[tilespmem:s24], [sflag:$0x3] =	stream.indirect_vreg.gather [hbm4b:s1+s3], $0x80, v6, vm0, $0xb8;
	[tilespmem:$0x19E00] =	vst v63  }
0xca: {  	s25 =	simm.s32 $0x11E00  }
0xcb: {  	[tilespmem:s25], [sflag:$0x3] =	stream.indirect_vreg.gather [hbm4b:s5+s3], $0x80, v6, vm0, $0xb8;
	[tilespmem:$0x19E00] =	vst v63  }
0xcc: {  	v6 =	vld [tilespmem:$0x390];
	_ =	sdelay $0x4  }
0xcd: {  	v7 =	vshll.u32 v6, $0x2  }
0xce: {  	v6 =	vand.u32 $0x7, v6;
	v7 =	vand.u32 $0xFFFFFFE0, v7  }
0xcf: {  	v6 =	vor.u32 v6, v7  }
0xd0: {  	v7 =	vperm.xlane v6, v1;
	_ =	sdelay $0x1  }
0xd1: {  	v7 =	vadd.s32 v2, v7;
	_ =	sdelay $0x1  }
0xd2: {  	v6 =	vperm.xlane v6, v3;
	_ =	sdelay $0x1  }
0xd3: {  	s29 =	simm.s32 $0x12600;
	v6 =	vadd.s32 v2, v6  }
0xd4: {  	[tilespmem:s29], [sflag:$0x3] =	stream.indirect_vreg.gather [hbm4b:s1+s3], $0x80, v7, vm0, $0xb8;
	[tilespmem:$0x19E00] =	vst v63  }
0xd5: {  	s30 =	simm.s32 $0x12E00  }
0xd6: {  	[tilespmem:s30], [sflag:$0x3] =	stream.indirect_vreg.gather [hbm4b:s5+s3], $0x80, v7, vm0, $0xb8;
	[tilespmem:$0x19E00] =	vst v63  }
0xd7: {  	s18 =	simm.s32 $0x13600  }
0xd8: {  	[tilespmem:s18], [sflag:$0x3] =	stream.indirect_vreg.gather [hbm4b:s1+s3], $0x80, v6, vm0, $0xb8;
	[tilespmem:$0x19E00] =	vst v63  }
0xd9: {  	s19 =	simm.s32 $0x13E00  }
0xda: {  	[tilespmem:s19], [sflag:$0x3] =	stream.indirect_vreg.gather [hbm4b:s5+s3], $0x80, v6, vm0, $0xb8;
	[tilespmem:$0x19E00] =	vst v63  }
0xdb: {  	v6 =	vld [tilespmem:$0x3A0];
	_ =	sdelay $0x4  }
0xdc: {  	v7 =	vshll.u32 v6, $0x2  }
0xdd: {  	v6 =	vand.u32 $0x7, v6;
	v7 =	vand.u32 $0xFFFFFFE0, v7  }
0xde: {  	v6 =	vor.u32 v6, v7  }
0xdf: {  	v7 =	vperm.xlane v6, v1;
	_ =	sdelay $0x1  }
0xe0: {  	v7 =	vadd.s32 v2, v7;
	_ =	sdelay $0x1  }
0xe1: {  	v6 =	vperm.xlane v6, v3;
	_ =	sdelay $0x1  }
0xe2: {  	s20 =	simm.s32 $0x14600;
	v6 =	vadd.s32 v2, v6  }
0xe3: {  	[tilespmem:s20], [sflag:$0x3] =	stream.indirect_vreg.gather [hbm4b:s1+s3], $0x80, v7, vm0, $0xb8;
	[tilespmem:$0x19E00] =	vst v63  }
0xe4: {  	s21 =	simm.s32 $0x14E00  }
0xe5: {  	[tilespmem:s21], [sflag:$0x3] =	stream.indirect_vreg.gather [hbm4b:s5+s3], $0x80, v7, vm0, $0xb8;
	[tilespmem:$0x19E00] =	vst v63  }
0xe6: {  	s22 =	simm.s32 $0x15600  }
0xe7: {  	[tilespmem:s22], [sflag:$0x3] =	stream.indirect_vreg.gather [hbm4b:s1+s3], $0x80, v6, vm0, $0xb8;
	[tilespmem:$0x19E00] =	vst v63  }
0xe8: {  	s23 =	simm.s32 $0x15E00  }
0xe9: {  	[tilespmem:s23], [sflag:$0x3] =	stream.indirect_vreg.gather [hbm4b:s5+s3], $0x80, v6, vm0, $0xb8;
	[tilespmem:$0x19E00] =	vst v63  }
0xea: {  	v6 =	vld [tilespmem:$0x3B0];
	_ =	sdelay $0x4  }
0xeb: {  	v7 =	vshll.u32 v6, $0x2  }
0xec: {  	v6 =	vand.u32 $0x7, v6;
	v7 =	vand.u32 $0xFFFFFFE0, v7  }
0xed: {  	v6 =	vor.u32 v6, v7  }
0xee: {  	v7 =	vperm.xlane v6, v1;
	_ =	sdelay $0x1  }
0xef: {  	v7 =	vadd.s32 v2, v7;
	_ =	sdelay $0x1  }
0xf0: {  	v6 =	vperm.xlane v6, v3;
	_ =	sdelay $0x1  }
0xf1: {  	s24 =	simm.s32 $0x16600;
	v6 =	vadd.s32 v2, v6  }
0xf2: {  	[tilespmem:s24], [sflag:$0x3] =	stream.indirect_vreg.gather [hbm4b:s1+s3], $0x80, v7, vm0, $0xb8;
	[tilespmem:$0x19E00] =	vst v63  }
0xf3: {  	s25 =	simm.s32 $0x16E00  }
0xf4: {  	[tilespmem:s25], [sflag:$0x3] =	stream.indirect_vreg.gather [hbm4b:s5+s3], $0x80, v7, vm0, $0xb8;
	[tilespmem:$0x19E00] =	vst v63  }
0xf5: {  	s29 =	simm.s32 $0x17600  }
0xf6: {  	[tilespmem:s29], [sflag:$0x3] =	stream.indirect_vreg.gather [hbm4b:s1+s3], $0x80, v6, vm0, $0xb8;
	[tilespmem:$0x19E00] =	vst v63  }
0xf7: {  	s30 =	simm.s32 $0x17E00  }
0xf8: {  	[tilespmem:s30], [sflag:$0x3] =	stream.indirect_vreg.gather [hbm4b:s5+s3], $0x80, v6, vm0, $0xb8;
	[tilespmem:$0x19E00] =	vst v63  }
0xf9: {  	_ =	swait.ge [sflag:s6], $0x8000  }
0xfa: {  	[sflag:s6] =	ssyncset.done $0x0  }
0xfb: {  	s0 =	rddreg [dreg:$0xb];
	[sflag:s6] =	ssyncadd.s32 $0xFFFF8000  }
0xfc: {  	[hbm4b:s0+s3] =	stream.linear.scatter [tilespmem:s28], [sflag:$0x4], $0x8000, $0x38;
	[tilespmem:$0x19E00] =	vst v63  }
0xfd: {  	_ =	swait.ge [sflag:s7], $0x8000  }
0xfe: {  	[sflag:s7] =	ssyncset.done $0x0  }
0xff: {  	s0 =	rddreg [dreg:$0xc];
	[sflag:s7] =	ssyncadd.s32 $0xFFFF8000  }
0x100: {  	[hbm4b:s0+s3] =	stream.linear.scatter [tilespmem:s15], [sflag:$0x5], $0x8000, $0x38;
	[tilespmem:$0x19E00] =	vst v63  }
0x101: {  	_ =	swait.ge [sflag:s8], $0x8000  }
0x102: {  	[sflag:s8] =	ssyncset.done $0x0  }
0x103: {  	[sflag:s8] =	ssyncadd.s32 $0xFFFF8000  }
0x104: {  	v6 =	vld [tilespmem:$0x3C0];
	_ =	sdelay $0x4  }
0x105: {  	v7 =	vshll.u32 v6, $0x2  }
0x106: {  	v6 =	vand.u32 $0x7, v6;
	v7 =	vand.u32 $0xFFFFFFE0, v7  }
0x107: {  	v6 =	vor.u32 v6, v7  }
0x108: {  	v7 =	vperm.xlane v6, v1;
	_ =	sdelay $0x1  }
0x109: {  	v7 =	vadd.s32 v2, v7;
	_ =	sdelay $0x1  }
0x10a: {  	v6 =	vperm.xlane v6, v3;
	_ =	sdelay $0x1  }
0x10b: {  	v6 =	vadd.s32 v2, v6  }
0x10c: {  	[tilespmem:s28], [sflag:$0x1] =	stream.indirect_vreg.gather [hbm4b:s1+s3], $0x80, v7, vm0, $0xb8;
	[tilespmem:$0x19E00] =	vst v63  }
0x10d: {  	s16 =	simm.s32 $0xE00  }
0x10e: {  	[tilespmem:s16], [sflag:$0x1] =	stream.indirect_vreg.gather [hbm4b:s5+s3], $0x80, v7, vm0, $0xb8;
	[tilespmem:$0x19E00] =	vst v63  }
0x10f: {  	s16 =	simm.s32 $0x1600  }
0x110: {  	[tilespmem:s16], [sflag:$0x1] =	stream.indirect_vreg.gather [hbm4b:s1+s3], $0x80, v6, vm0, $0xb8;
	[tilespmem:$0x19E00] =	vst v63  }
0x111: {  	s2 =	simm.s32 $0x1E00  }
0x112: {  	[tilespmem:s2], [sflag:$0x1] =	stream.indirect_vreg.gather [hbm4b:s5+s3], $0x80, v6, vm0, $0xb8;
	[tilespmem:$0x19E00] =	vst v63  }
0x113: {  	v6 =	vld [tilespmem:$0x3D0];
	_ =	sdelay $0x4  }
0x114: {  	v7 =	vshll.u32 v6, $0x2  }
0x115: {  	v6 =	vand.u32 $0x7, v6;
	v7 =	vand.u32 $0xFFFFFFE0, v7  }
0x116: {  	v6 =	vor.u32 v6, v7  }
0x117: {  	v7 =	vperm.xlane v6, v1;
	_ =	sdelay $0x1  }
0x118: {  	v7 =	vadd.s32 v2, v7;
	_ =	sdelay $0x1  }
0x119: {  	v6 =	vperm.xlane v6, v3;
	_ =	sdelay $0x1  }
0x11a: {  	s2 =	simm.s32 $0x2600;
	v6 =	vadd.s32 v2, v6  }
0x11b: {  	[tilespmem:s2], [sflag:$0x1] =	stream.indirect_vreg.gather [hbm4b:s1+s3], $0x80, v7, vm0, $0xb8;
	[tilespmem:$0x19E00] =	vst v63  }
0x11c: {  	s16 =	simm.s32 $0x2E00  }
0x11d: {  	[tilespmem:s16], [sflag:$0x1] =	stream.indirect_vreg.gather [hbm4b:s5+s3], $0x80, v7, vm0, $0xb8;
	[tilespmem:$0x19E00] =	vst v63  }
0x11e: {  	s2 =	simm.s32 $0x3600  }
0x11f: {  	[tilespmem:s2], [sflag:$0x1] =	stream.indirect_vreg.gather [hbm4b:s1+s3], $0x80, v6, vm0, $0xb8;
	[tilespmem:$0x19E00] =	vst v63  }
0x120: {  	s9 =	simm.s32 $0x3E00  }
0x121: {  	[tilespmem:s9], [sflag:$0x1] =	stream.indirect_vreg.gather [hbm4b:s5+s3], $0x80, v6, vm0, $0xb8;
	[tilespmem:$0x19E00] =	vst v63  }
0x122: {  	v6 =	vld [tilespmem:$0x3E0];
	_ =	sdelay $0x4  }
0x123: {  	v7 =	vshll.u32 v6, $0x2  }
0x124: {  	v6 =	vand.u32 $0x7, v6;
	v7 =	vand.u32 $0xFFFFFFE0, v7  }
0x125: {  	v6 =	vor.u32 v6, v7  }
0x126: {  	v7 =	vperm.xlane v6, v1;
	_ =	sdelay $0x1  }
0x127: {  	v7 =	vadd.s32 v2, v7;
	_ =	sdelay $0x1  }
0x128: {  	v6 =	vperm.xlane v6, v3;
	_ =	sdelay $0x1  }
0x129: {  	s9 =	simm.s32 $0x4600;
	v6 =	vadd.s32 v2, v6  }
0x12a: {  	[tilespmem:s9], [sflag:$0x1] =	stream.indirect_vreg.gather [hbm4b:s1+s3], $0x80, v7, vm0, $0xb8;
	[tilespmem:$0x19E00] =	vst v63  }
0x12b: {  	s16 =	simm.s32 $0x4E00  }
0x12c: {  	[tilespmem:s16], [sflag:$0x1] =	stream.indirect_vreg.gather [hbm4b:s5+s3], $0x80, v7, vm0, $0xb8;
	[tilespmem:$0x19E00] =	vst v63  }
0x12d: {  	s2 =	simm.s32 $0x5600  }
0x12e: {  	[tilespmem:s2], [sflag:$0x1] =	stream.indirect_vreg.gather [hbm4b:s1+s3], $0x80, v6, vm0, $0xb8;
	[tilespmem:$0x19E00] =	vst v63  }
0x12f: {  	s4 =	simm.s32 $0x5E00  }
0x130: {  	[tilespmem:s4], [sflag:$0x1] =	stream.indirect_vreg.gather [hbm4b:s5+s3], $0x80, v6, vm0, $0xb8;
	[tilespmem:$0x19E00] =	vst v63  }
0x131: {  	v6 =	vld [tilespmem:$0x3F0];
	_ =	sdelay $0x4  }
0x132: {  	v7 =	vshll.u32 v6, $0x2  }
0x133: {  	v6 =	vand.u32 $0x7, v6;
	v7 =	vand.u32 $0xFFFFFFE0, v7  }
0x134: {  	v6 =	vor.u32 v6, v7  }
0x135: {  	v7 =	vperm.xlane v6, v1;
	_ =	sdelay $0x1  }
0x136: {  	v7 =	vadd.s32 v2, v7;
	_ =	sdelay $0x1  }
0x137: {  	v6 =	vperm.xlane v6, v3;
	_ =	sdelay $0x1  }
0x138: {  	s9 =	simm.s32 $0x6600;
	v6 =	vadd.s32 v2, v6  }
0x139: {  	[tilespmem:s9], [sflag:$0x1] =	stream.indirect_vreg.gather [hbm4b:s1+s3], $0x80, v7, vm0, $0xb8;
	[tilespmem:$0x19E00] =	vst v63  }
0x13a: {  	s16 =	simm.s32 $0x6E00  }
0x13b: {  	[tilespmem:s16], [sflag:$0x1] =	stream.indirect_vreg.gather [hbm4b:s5+s3], $0x80, v7, vm0, $0xb8;
	[tilespmem:$0x19E00] =	vst v63  }
0x13c: {  	s2 =	simm.s32 $0x7600  }
0x13d: {  	[tilespmem:s2], [sflag:$0x1] =	stream.indirect_vreg.gather [hbm4b:s1+s3], $0x80, v6, vm0, $0xb8;
	[tilespmem:$0x19E00] =	vst v63  }
0x13e: {  	s17 =	simm.s32 $0x7E00;
	s0 =	simm.s32 $0x3  }
0x13f: {  	[tilespmem:s17], [sflag:$0x1] =	stream.indirect_vreg.gather [hbm4b:s5+s3], $0x80, v6, vm0, $0xb8;
	[tilespmem:$0x19E00] =	vst v63  }
0x140: {  	_ =	swait.ge [sflag:s0], $0x8000  }
0x141: {  	[sflag:s0] =	ssyncset.done $0x0  }
0x142: {  	s4 =	rddreg [dreg:$0xd];
	[sflag:s0] =	ssyncadd.s32 $0xFFFF8000  }
0x143: {  	[hbm4b:s4+s3] =	stream.linear.scatter [tilespmem:s11], [sflag:$0x6], $0x8000, $0x38;
	[tilespmem:$0x19E00] =	vst v63  }
0x144: {  	_ =	swait.ge [sflag:s10], $0x8000  }
0x145: {  	[sflag:s10] =	ssyncset.done $0x0  }
0x146: {  	[sflag:s10] =	ssyncadd.s32 $0xFFFF8000  }
0x147: {  	v6 =	vld [tilespmem:$0x400];
	_ =	sdelay $0x4  }
0x148: {  	v7 =	vshll.u32 v6, $0x2  }
0x149: {  	v6 =	vand.u32 $0x7, v6;
	v7 =	vand.u32 $0xFFFFFFE0, v7  }
0x14a: {  	v6 =	vor.u32 v6, v7  }
0x14b: {  	v7 =	vperm.xlane v6, v1;
	_ =	sdelay $0x1  }
0x14c: {  	v7 =	vadd.s32 v2, v7;
	_ =	sdelay $0x1  }
0x14d: {  	v6 =	vperm.xlane v6, v3;
	_ =	sdelay $0x1  }
0x14e: {  	v6 =	vadd.s32 v2, v6  }
0x14f: {  	[tilespmem:s15], [sflag:$0x2] =	stream.indirect_vreg.gather [hbm4b:s1+s3], $0x80, v7, vm0, $0xb8;
	[tilespmem:$0x19E00] =	vst v63  }
0x150: {  	s9 =	simm.s32 $0x8E00  }
0x151: {  	[tilespmem:s9], [sflag:$0x2] =	stream.indirect_vreg.gather [hbm4b:s5+s3], $0x80, v7, vm0, $0xb8;
	[tilespmem:$0x19E00] =	vst v63  }
0x152: {  	s16 =	simm.s32 $0x9600  }
0x153: {  	[tilespmem:s16], [sflag:$0x2] =	stream.indirect_vreg.gather [hbm4b:s1+s3], $0x80, v6, vm0, $0xb8;
	[tilespmem:$0x19E00] =	vst v63  }
0x154: {  	s17 =	simm.s32 $0x9E00  }
0x155: {  	[tilespmem:s17], [sflag:$0x2] =	stream.indirect_vreg.gather [hbm4b:s5+s3], $0x80, v6, vm0, $0xb8;
	[tilespmem:$0x19E00] =	vst v63  }
0x156: {  	v6 =	vld [tilespmem:$0x410];
	_ =	sdelay $0x4  }
0x157: {  	v7 =	vshll.u32 v6, $0x2  }
0x158: {  	v6 =	vand.u32 $0x7, v6;
	v7 =	vand.u32 $0xFFFFFFE0, v7  }
0x159: {  	v6 =	vor.u32 v6, v7  }
0x15a: {  	v7 =	vperm.xlane v6, v1;
	_ =	sdelay $0x1  }
0x15b: {  	v7 =	vadd.s32 v2, v7;
	_ =	sdelay $0x1  }
0x15c: {  	v6 =	vperm.xlane v6, v3;
	_ =	sdelay $0x1  }
0x15d: {  	s4 =	simm.s32 $0xA600;
	v6 =	vadd.s32 v2, v6  }
0x15e: {  	[tilespmem:s4], [sflag:$0x2] =	stream.indirect_vreg.gather [hbm4b:s1+s3], $0x80, v7, vm0, $0xb8;
	[tilespmem:$0x19E00] =	vst v63  }
0x15f: {  	s9 =	simm.s32 $0xAE00  }
0x160: {  	[tilespmem:s9], [sflag:$0x2] =	stream.indirect_vreg.gather [hbm4b:s5+s3], $0x80, v7, vm0, $0xb8;
	[tilespmem:$0x19E00] =	vst v63  }
0x161: {  	s16 =	simm.s32 $0xB600  }
0x162: {  	[tilespmem:s16], [sflag:$0x2] =	stream.indirect_vreg.gather [hbm4b:s1+s3], $0x80, v6, vm0, $0xb8;
	[tilespmem:$0x19E00] =	vst v63  }
0x163: {  	s17 =	simm.s32 $0xBE00  }
0x164: {  	[tilespmem:s17], [sflag:$0x2] =	stream.indirect_vreg.gather [hbm4b:s5+s3], $0x80, v6, vm0, $0xb8;
	[tilespmem:$0x19E00] =	vst v63  }
0x165: {  	v6 =	vld [tilespmem:$0x420];
	_ =	sdelay $0x4  }
0x166: {  	v7 =	vshll.u32 v6, $0x2  }
0x167: {  	v6 =	vand.u32 $0x7, v6;
	v7 =	vand.u32 $0xFFFFFFE0, v7  }
0x168: {  	v6 =	vor.u32 v6, v7  }
0x169: {  	v7 =	vperm.xlane v6, v1;
	_ =	sdelay $0x1  }
0x16a: {  	v7 =	vadd.s32 v2, v7;
	_ =	sdelay $0x1  }
0x16b: {  	v6 =	vperm.xlane v6, v3;
	_ =	sdelay $0x1  }
0x16c: {  	s4 =	simm.s32 $0xC600;
	v6 =	vadd.s32 v2, v6  }
0x16d: {  	[tilespmem:s4], [sflag:$0x2] =	stream.indirect_vreg.gather [hbm4b:s1+s3], $0x80, v7, vm0, $0xb8;
	[tilespmem:$0x19E00] =	vst v63  }
0x16e: {  	s9 =	simm.s32 $0xCE00  }
0x16f: {  	[tilespmem:s9], [sflag:$0x2] =	stream.indirect_vreg.gather [hbm4b:s5+s3], $0x80, v7, vm0, $0xb8;
	[tilespmem:$0x19E00] =	vst v63  }
0x170: {  	s16 =	simm.s32 $0xD600  }
0x171: {  	[tilespmem:s16], [sflag:$0x2] =	stream.indirect_vreg.gather [hbm4b:s1+s3], $0x80, v6, vm0, $0xb8;
	[tilespmem:$0x19E00] =	vst v63  }
0x172: {  	s17 =	simm.s32 $0xDE00  }
0x173: {  	[tilespmem:s17], [sflag:$0x2] =	stream.indirect_vreg.gather [hbm4b:s5+s3], $0x80, v6, vm0, $0xb8;
	[tilespmem:$0x19E00] =	vst v63  }
0x174: {  	v6 =	vld [tilespmem:$0x430];
	_ =	sdelay $0x4  }
0x175: {  	v7 =	vshll.u32 v6, $0x2  }
0x176: {  	v6 =	vand.u32 $0x7, v6;
	v7 =	vand.u32 $0xFFFFFFE0, v7  }
0x177: {  	v6 =	vor.u32 v6, v7  }
0x178: {  	v7 =	vperm.xlane v6, v1;
	_ =	sdelay $0x1  }
0x179: {  	v7 =	vadd.s32 v2, v7;
	_ =	sdelay $0x1  }
0x17a: {  	v6 =	vperm.xlane v6, v3;
	_ =	sdelay $0x1  }
0x17b: {  	s4 =	simm.s32 $0xE600;
	v6 =	vadd.s32 v2, v6  }
0x17c: {  	[tilespmem:s4], [sflag:$0x2] =	stream.indirect_vreg.gather [hbm4b:s1+s3], $0x80, v7, vm0, $0xb8;
	[tilespmem:$0x19E00] =	vst v63  }
0x17d: {  	s9 =	simm.s32 $0xEE00  }
0x17e: {  	[tilespmem:s9], [sflag:$0x2] =	stream.indirect_vreg.gather [hbm4b:s5+s3], $0x80, v7, vm0, $0xb8;
	[tilespmem:$0x19E00] =	vst v63  }
0x17f: {  	s16 =	simm.s32 $0xF600  }
0x180: {  	[tilespmem:s16], [sflag:$0x2] =	stream.indirect_vreg.gather [hbm4b:s1+s3], $0x80, v6, vm0, $0xb8;
	[tilespmem:$0x19E00] =	vst v63  }
0x181: {  	s17 =	simm.s32 $0xFE00  }
0x182: {  	[tilespmem:s17], [sflag:$0x2] =	stream.indirect_vreg.gather [hbm4b:s5+s3], $0x80, v6, vm0, $0xb8;
	[tilespmem:$0x19E00] =	vst v63  }
0x183: {  	_ =	swait.ge [sflag:s6], $0x8000  }
0x184: {  	[sflag:s6] =	ssyncset.done $0x0  }
0x185: {  	s2 =	simm.s32 $0x6;
	s4 =	rddreg [dreg:$0xe];
	[sflag:s6] =	ssyncadd.s32 $0xFFFF8000  }
0x186: {  	[hbm4b:s4+s3] =	stream.linear.scatter [tilespmem:s28], [sflag:$0x4], $0x8000, $0x38;
	[tilespmem:$0x19E00] =	vst v63  }
0x187: {  	_ =	swait.ge [sflag:s2], $0x8000  }
0x188: {  	[sflag:s2] =	ssyncset.done $0x0  }
0x189: {  	[sflag:s2] =	ssyncadd.s32 $0xFFFF8000  }
0x18a: {  	v6 =	vld [tilespmem:$0x440];
	_ =	sdelay $0x4  }
0x18b: {  	v7 =	vshll.u32 v6, $0x2  }
0x18c: {  	v6 =	vand.u32 $0x7, v6;
	v7 =	vand.u32 $0xFFFFFFE0, v7  }
0x18d: {  	v6 =	vor.u32 v6, v7  }
0x18e: {  	v7 =	vperm.xlane v6, v1;
	_ =	sdelay $0x1  }
0x18f: {  	v7 =	vadd.s32 v2, v7;
	_ =	sdelay $0x1  }
0x190: {  	v6 =	vperm.xlane v6, v3;
	_ =	sdelay $0x1  }
0x191: {  	v6 =	vadd.s32 v2, v6  }
0x192: {  	[tilespmem:s11], [sflag:$0x3] =	stream.indirect_vreg.gather [hbm4b:s1+s3], $0x80, v7, vm0, $0xb8;
	[tilespmem:$0x19E00] =	vst v63  }
0x193: {  	_ = 	snop  }
0x194: {  	[tilespmem:s31], [sflag:$0x3] =	stream.indirect_vreg.gather [hbm4b:s5+s3], $0x80, v7, vm0, $0xb8;
	[tilespmem:$0x19E00] =	vst v63  }
0x195: {  	s9 =	simm.s32 $0x11600  }
0x196: {  	[tilespmem:s9], [sflag:$0x3] =	stream.indirect_vreg.gather [hbm4b:s1+s3], $0x80, v6, vm0, $0xb8;
	[tilespmem:$0x19E00] =	vst v63  }
0x197: {  	s16 =	simm.s32 $0x11E00  }
0x198: {  	[tilespmem:s16], [sflag:$0x3] =	stream.indirect_vreg.gather [hbm4b:s5+s3], $0x80, v6, vm0, $0xb8;
	[tilespmem:$0x19E00] =	vst v63  }
0x199: {  	v6 =	vld [tilespmem:$0x450];
	_ =	sdelay $0x4  }
0x19a: {  	v7 =	vshll.u32 v6, $0x2  }
0x19b: {  	v6 =	vand.u32 $0x7, v6;
	v7 =	vand.u32 $0xFFFFFFE0, v7  }
0x19c: {  	v6 =	vor.u32 v6, v7  }
0x19d: {  	v7 =	vperm.xlane v6, v1;
	_ =	sdelay $0x1  }
0x19e: {  	v7 =	vadd.s32 v2, v7;
	_ =	sdelay $0x1  }
0x19f: {  	v6 =	vperm.xlane v6, v3;
	_ =	sdelay $0x1  }
0x1a0: {  	s4 =	simm.s32 $0x12600;
	v6 =	vadd.s32 v2, v6  }
0x1a1: {  	[tilespmem:s4], [sflag:$0x3] =	stream.indirect_vreg.gather [hbm4b:s1+s3], $0x80, v7, vm0, $0xb8;
	[tilespmem:$0x19E00] =	vst v63  }
0x1a2: {  	s4 =	simm.s32 $0x12E00  }
0x1a3: {  	[tilespmem:s4], [sflag:$0x3] =	stream.indirect_vreg.gather [hbm4b:s5+s3], $0x80, v7, vm0, $0xb8;
	[tilespmem:$0x19E00] =	vst v63  }
0x1a4: {  	_ = 	snop  }
0x1a5: {  	[tilespmem:s18], [sflag:$0x3] =	stream.indirect_vreg.gather [hbm4b:s1+s3], $0x80, v6, vm0, $0xb8;
	[tilespmem:$0x19E00] =	vst v63  }
0x1a6: {  	_ = 	snop  }
0x1a7: {  	[tilespmem:s19], [sflag:$0x3] =	stream.indirect_vreg.gather [hbm4b:s5+s3], $0x80, v6, vm0, $0xb8;
	[tilespmem:$0x19E00] =	vst v63  }
0x1a8: {  	v6 =	vld [tilespmem:$0x460];
	_ =	sdelay $0x4  }
0x1a9: {  	v7 =	vshll.u32 v6, $0x2  }
0x1aa: {  	v6 =	vand.u32 $0x7, v6;
	v7 =	vand.u32 $0xFFFFFFE0, v7  }
0x1ab: {  	v6 =	vor.u32 v6, v7  }
0x1ac: {  	v7 =	vperm.xlane v6, v1;
	_ =	sdelay $0x1  }
0x1ad: {  	v7 =	vadd.s32 v2, v7;
	_ =	sdelay $0x1  }
0x1ae: {  	v6 =	vperm.xlane v6, v3;
	_ =	sdelay $0x1  }
0x1af: {  	v6 =	vadd.s32 v2, v6  }
0x1b0: {  	[tilespmem:s20], [sflag:$0x3] =	stream.indirect_vreg.gather [hbm4b:s1+s3], $0x80, v7, vm0, $0xb8;
	[tilespmem:$0x19E00] =	vst v63  }
0x1b1: {  	_ = 	snop  }
0x1b2: {  	[tilespmem:s21], [sflag:$0x3] =	stream.indirect_vreg.gather [hbm4b:s5+s3], $0x80, v7, vm0, $0xb8;
	[tilespmem:$0x19E00] =	vst v63  }
0x1b3: {  	_ = 	snop  }
0x1b4: {  	[tilespmem:s22], [sflag:$0x3] =	stream.indirect_vreg.gather [hbm4b:s1+s3], $0x80, v6, vm0, $0xb8;
	[tilespmem:$0x19E00] =	vst v63  }
0x1b5: {  	_ = 	snop  }
0x1b6: {  	[tilespmem:s23], [sflag:$0x3] =	stream.indirect_vreg.gather [hbm4b:s5+s3], $0x80, v6, vm0, $0xb8;
	[tilespmem:$0x19E00] =	vst v63  }
0x1b7: {  	v6 =	vld [tilespmem:$0x470];
	_ =	sdelay $0x4  }
0x1b8: {  	v7 =	vshll.u32 v6, $0x2  }
0x1b9: {  	v6 =	vand.u32 $0x7, v6;
	v7 =	vand.u32 $0xFFFFFFE0, v7  }
0x1ba: {  	v6 =	vor.u32 v6, v7  }
0x1bb: {  	v7 =	vperm.xlane v6, v1;
	_ =	sdelay $0x1  }
0x1bc: {  	v7 =	vadd.s32 v2, v7;
	_ =	sdelay $0x1  }
0x1bd: {  	v6 =	vperm.xlane v6, v3;
	_ =	sdelay $0x1  }
0x1be: {  	v6 =	vadd.s32 v2, v6  }
0x1bf: {  	[tilespmem:s24], [sflag:$0x3] =	stream.indirect_vreg.gather [hbm4b:s1+s3], $0x80, v7, vm0, $0xb8;
	[tilespmem:$0x19E00] =	vst v63  }
0x1c0: {  	_ = 	snop  }
0x1c1: {  	[tilespmem:s25], [sflag:$0x3] =	stream.indirect_vreg.gather [hbm4b:s5+s3], $0x80, v7, vm0, $0xb8;
	[tilespmem:$0x19E00] =	vst v63  }
0x1c2: {  	_ = 	snop  }
0x1c3: {  	[tilespmem:s29], [sflag:$0x3] =	stream.indirect_vreg.gather [hbm4b:s1+s3], $0x80, v6, vm0, $0xb8;
	[tilespmem:$0x19E00] =	vst v63  }
0x1c4: {  	_ = 	snop  }
0x1c5: {  	[tilespmem:s30], [sflag:$0x3] =	stream.indirect_vreg.gather [hbm4b:s5+s3], $0x80, v6, vm0, $0xb8;
	[tilespmem:$0x19E00] =	vst v63  }
0x1c6: {  	_ =	swait.ge [sflag:s7], $0x8000  }
0x1c7: {  	[sflag:s7] =	ssyncset.done $0x0  }
0x1c8: {  	s9 =	rddreg [dreg:$0xf];
	[sflag:s7] =	ssyncadd.s32 $0xFFFF8000  }
0x1c9: {  	[hbm4b:s9+s3] =	stream.linear.scatter [tilespmem:s15], [sflag:$0x5], $0x8000, $0x38;
	[tilespmem:$0x19E00] =	vst v63  }
0x1ca: {  	_ =	swait.ge [sflag:s8], $0x8000  }
0x1cb: {  	[sflag:s8] =	ssyncset.done $0x0  }
0x1cc: {  	[sflag:s8] =	ssyncadd.s32 $0xFFFF8000  }
0x1cd: {  	v6 =	vld [tilespmem:$0x480];
	_ =	sdelay $0x4  }
0x1ce: {  	v7 =	vshll.u32 v6, $0x2  }
0x1cf: {  	v6 =	vand.u32 $0x7, v6;
	v7 =	vand.u32 $0xFFFFFFE0, v7  }
0x1d0: {  	v6 =	vor.u32 v6, v7  }
0x1d1: {  	v7 =	vperm.xlane v6, v1;
	_ =	sdelay $0x1  }
0x1d2: {  	v7 =	vadd.s32 v2, v7;
	_ =	sdelay $0x1  }
0x1d3: {  	v6 =	vperm.xlane v6, v3;
	_ =	sdelay $0x1  }
0x1d4: {  	v6 =	vadd.s32 v2, v6  }
0x1d5: {  	[tilespmem:s28], [sflag:$0x1] =	stream.indirect_vreg.gather [hbm4b:s1+s3], $0x80, v7, vm0, $0xb8;
	[tilespmem:$0x19E00] =	vst v63  }
0x1d6: {  	s9 =	simm.s32 $0xE00  }
0x1d7: {  	[tilespmem:s9], [sflag:$0x1] =	stream.indirect_vreg.gather [hbm4b:s5+s3], $0x80, v7, vm0, $0xb8;
	[tilespmem:$0x19E00] =	vst v63  }
0x1d8: {  	s16 =	simm.s32 $0x1600  }
0x1d9: {  	[tilespmem:s16], [sflag:$0x1] =	stream.indirect_vreg.gather [hbm4b:s1+s3], $0x80, v6, vm0, $0xb8;
	[tilespmem:$0x19E00] =	vst v63  }
0x1da: {  	s16 =	simm.s32 $0x1E00  }
0x1db: {  	[tilespmem:s16], [sflag:$0x1] =	stream.indirect_vreg.gather [hbm4b:s5+s3], $0x80, v6, vm0, $0xb8;
	[tilespmem:$0x19E00] =	vst v63  }
0x1dc: {  	v6 =	vld [tilespmem:$0x490];
	_ =	sdelay $0x4  }
0x1dd: {  	v7 =	vshll.u32 v6, $0x2  }
0x1de: {  	v6 =	vand.u32 $0x7, v6;
	v7 =	vand.u32 $0xFFFFFFE0, v7  }
0x1df: {  	v6 =	vor.u32 v6, v7  }
0x1e0: {  	v7 =	vperm.xlane v6, v1;
	_ =	sdelay $0x1  }
0x1e1: {  	v7 =	vadd.s32 v2, v7;
	_ =	sdelay $0x1  }
0x1e2: {  	v6 =	vperm.xlane v6, v3;
	_ =	sdelay $0x1  }
0x1e3: {  	s16 =	simm.s32 $0x2600;
	v6 =	vadd.s32 v2, v6  }
0x1e4: {  	[tilespmem:s16], [sflag:$0x1] =	stream.indirect_vreg.gather [hbm4b:s1+s3], $0x80, v7, vm0, $0xb8;
	[tilespmem:$0x19E00] =	vst v63  }
0x1e5: {  	s16 =	simm.s32 $0x2E00  }
0x1e6: {  	[tilespmem:s16], [sflag:$0x1] =	stream.indirect_vreg.gather [hbm4b:s5+s3], $0x80, v7, vm0, $0xb8;
	[tilespmem:$0x19E00] =	vst v63  }
0x1e7: {  	s16 =	simm.s32 $0x3600  }
0x1e8: {  	[tilespmem:s16], [sflag:$0x1] =	stream.indirect_vreg.gather [hbm4b:s1+s3], $0x80, v6, vm0, $0xb8;
	[tilespmem:$0x19E00] =	vst v63  }
0x1e9: {  	s16 =	simm.s32 $0x3E00  }
0x1ea: {  	[tilespmem:s16], [sflag:$0x1] =	stream.indirect_vreg.gather [hbm4b:s5+s3], $0x80, v6, vm0, $0xb8;
	[tilespmem:$0x19E00] =	vst v63  }
0x1eb: {  	v6 =	vld [tilespmem:$0x4A0];
	_ =	sdelay $0x4  }
0x1ec: {  	v7 =	vshll.u32 v6, $0x2  }
0x1ed: {  	v6 =	vand.u32 $0x7, v6;
	v7 =	vand.u32 $0xFFFFFFE0, v7  }
0x1ee: {  	v6 =	vor.u32 v6, v7  }
0x1ef: {  	v7 =	vperm.xlane v6, v1;
	_ =	sdelay $0x1  }
0x1f0: {  	v7 =	vadd.s32 v2, v7;
	_ =	sdelay $0x1  }
0x1f1: {  	v6 =	vperm.xlane v6, v3;
	_ =	sdelay $0x1  }
0x1f2: {  	s16 =	simm.s32 $0x4600;
	v6 =	vadd.s32 v2, v6  }
0x1f3: {  	[tilespmem:s16], [sflag:$0x1] =	stream.indirect_vreg.gather [hbm4b:s1+s3], $0x80, v7, vm0, $0xb8;
	[tilespmem:$0x19E00] =	vst v63  }
0x1f4: {  	s16 =	simm.s32 $0x4E00  }
0x1f5: {  	[tilespmem:s16], [sflag:$0x1] =	stream.indirect_vreg.gather [hbm4b:s5+s3], $0x80, v7, vm0, $0xb8;
	[tilespmem:$0x19E00] =	vst v63  }
0x1f6: {  	s16 =	simm.s32 $0x5600  }
0x1f7: {  	[tilespmem:s16], [sflag:$0x1] =	stream.indirect_vreg.gather [hbm4b:s1+s3], $0x80, v6, vm0, $0xb8;
	[tilespmem:$0x19E00] =	vst v63  }
0x1f8: {  	s16 =	simm.s32 $0x5E00  }
0x1f9: {  	[tilespmem:s16], [sflag:$0x1] =	stream.indirect_vreg.gather [hbm4b:s5+s3], $0x80, v6, vm0, $0xb8;
	[tilespmem:$0x19E00] =	vst v63  }
0x1fa: {  	v6 =	vld [tilespmem:$0x4B0];
	_ =	sdelay $0x4  }
0x1fb: {  	v7 =	vshll.u32 v6, $0x2  }
0x1fc: {  	v6 =	vand.u32 $0x7, v6;
	v7 =	vand.u32 $0xFFFFFFE0, v7  }
0x1fd: {  	v6 =	vor.u32 v6, v7  }
0x1fe: {  	v7 =	vperm.xlane v6, v1;
	_ =	sdelay $0x1  }
0x1ff: {  	v7 =	vadd.s32 v2, v7;
	_ =	sdelay $0x1  }
0x200: {  	v6 =	vperm.xlane v6, v3;
	_ =	sdelay $0x1  }
0x201: {  	s16 =	simm.s32 $0x6600;
	v6 =	vadd.s32 v2, v6  }
0x202: {  	[tilespmem:s16], [sflag:$0x1] =	stream.indirect_vreg.gather [hbm4b:s1+s3], $0x80, v7, vm0, $0xb8;
	[tilespmem:$0x19E00] =	vst v63  }
0x203: {  	s16 =	simm.s32 $0x6E00  }
0x204: {  	[tilespmem:s16], [sflag:$0x1] =	stream.indirect_vreg.gather [hbm4b:s5+s3], $0x80, v7, vm0, $0xb8;
	[tilespmem:$0x19E00] =	vst v63  }
0x205: {  	s16 =	simm.s32 $0x7600  }
0x206: {  	[tilespmem:s16], [sflag:$0x1] =	stream.indirect_vreg.gather [hbm4b:s1+s3], $0x80, v6, vm0, $0xb8;
	[tilespmem:$0x19E00] =	vst v63  }
0x207: {  	s16 =	simm.s32 $0x7E00  }
0x208: {  	[tilespmem:s16], [sflag:$0x1] =	stream.indirect_vreg.gather [hbm4b:s5+s3], $0x80, v6, vm0, $0xb8;
	[tilespmem:$0x19E00] =	vst v63  }
0x209: {  	_ =	swait.ge [sflag:s0], $0x8000  }
0x20a: {  	[sflag:s0] =	ssyncset.done $0x0  }
0x20b: {  	s16 =	rddreg [dreg:$0x10];
	[sflag:s0] =	ssyncadd.s32 $0xFFFF8000  }
0x20c: {  	[hbm4b:s16+s3] =	stream.linear.scatter [tilespmem:s11], [sflag:$0x6], $0x8000, $0x38;
	[tilespmem:$0x19E00] =	vst v63  }
0x20d: {  	_ =	swait.ge [sflag:s10], $0x8000  }
0x20e: {  	[sflag:s10] =	ssyncset.done $0x0  }
0x20f: {  	[sflag:s10] =	ssyncadd.s32 $0xFFFF8000  }
0x210: {  	v6 =	vld [tilespmem:$0x4C0];
	_ =	sdelay $0x4  }
0x211: {  	v7 =	vshll.u32 v6, $0x2  }
0x212: {  	v6 =	vand.u32 $0x7, v6;
	v7 =	vand.u32 $0xFFFFFFE0, v7  }
0x213: {  	v6 =	vor.u32 v6, v7  }
0x214: {  	v7 =	vperm.xlane v6, v1;
	_ =	sdelay $0x1  }
0x215: {  	v7 =	vadd.s32 v2, v7;
	_ =	sdelay $0x1  }
0x216: {  	v6 =	vperm.xlane v6, v3;
	_ =	sdelay $0x1  }
0x217: {  	v6 =	vadd.s32 v2, v6  }
0x218: {  	[tilespmem:s15], [sflag:$0x2] =	stream.indirect_vreg.gather [hbm4b:s1+s3], $0x80, v7, vm0, $0xb8;
	[tilespmem:$0x19E00] =	vst v63  }
0x219: {  	s16 =	simm.s32 $0x8E00  }
0x21a: {  	[tilespmem:s16], [sflag:$0x2] =	stream.indirect_vreg.gather [hbm4b:s5+s3], $0x80, v7, vm0, $0xb8;
	[tilespmem:$0x19E00] =	vst v63  }
0x21b: {  	s16 =	simm.s32 $0x9600  }
0x21c: {  	[tilespmem:s16], [sflag:$0x2] =	stream.indirect_vreg.gather [hbm4b:s1+s3], $0x80, v6, vm0, $0xb8;
	[tilespmem:$0x19E00] =	vst v63  }
0x21d: {  	s16 =	simm.s32 $0x9E00  }
0x21e: {  	[tilespmem:s16], [sflag:$0x2] =	stream.indirect_vreg.gather [hbm4b:s5+s3], $0x80, v6, vm0, $0xb8;
	[tilespmem:$0x19E00] =	vst v63  }
0x21f: {  	v6 =	vld [tilespmem:$0x4D0];
	_ =	sdelay $0x4  }
0x220: {  	v7 =	vshll.u32 v6, $0x2  }
0x221: {  	v6 =	vand.u32 $0x7, v6;
	v7 =	vand.u32 $0xFFFFFFE0, v7  }
0x222: {  	v6 =	vor.u32 v6, v7  }
0x223: {  	v7 =	vperm.xlane v6, v1;
	_ =	sdelay $0x1  }
0x224: {  	v7 =	vadd.s32 v2, v7;
	_ =	sdelay $0x1  }
0x225: {  	v6 =	vperm.xlane v6, v3;
	_ =	sdelay $0x1  }
0x226: {  	s16 =	simm.s32 $0xA600;
	v6 =	vadd.s32 v2, v6  }
0x227: {  	[tilespmem:s16], [sflag:$0x2] =	stream.indirect_vreg.gather [hbm4b:s1+s3], $0x80, v7, vm0, $0xb8;
	[tilespmem:$0x19E00] =	vst v63  }
0x228: {  	s16 =	simm.s32 $0xAE00  }
0x229: {  	[tilespmem:s16], [sflag:$0x2] =	stream.indirect_vreg.gather [hbm4b:s5+s3], $0x80, v7, vm0, $0xb8;
	[tilespmem:$0x19E00] =	vst v63  }
0x22a: {  	s16 =	simm.s32 $0xB600  }
0x22b: {  	[tilespmem:s16], [sflag:$0x2] =	stream.indirect_vreg.gather [hbm4b:s1+s3], $0x80, v6, vm0, $0xb8;
	[tilespmem:$0x19E00] =	vst v63  }
0x22c: {  	s16 =	simm.s32 $0xBE00  }
0x22d: {  	[tilespmem:s16], [sflag:$0x2] =	stream.indirect_vreg.gather [hbm4b:s5+s3], $0x80, v6, vm0, $0xb8;
	[tilespmem:$0x19E00] =	vst v63  }
0x22e: {  	v6 =	vld [tilespmem:$0x4E0];
	_ =	sdelay $0x4  }
0x22f: {  	v7 =	vshll.u32 v6, $0x2  }
0x230: {  	v6 =	vand.u32 $0x7, v6;
	v7 =	vand.u32 $0xFFFFFFE0, v7  }
0x231: {  	v6 =	vor.u32 v6, v7  }
0x232: {  	v7 =	vperm.xlane v6, v1;
	_ =	sdelay $0x1  }
0x233: {  	v7 =	vadd.s32 v2, v7;
	_ =	sdelay $0x1  }
0x234: {  	v6 =	vperm.xlane v6, v3;
	_ =	sdelay $0x1  }
0x235: {  	s16 =	simm.s32 $0xC600;
	v6 =	vadd.s32 v2, v6  }
0x236: {  	[tilespmem:s16], [sflag:$0x2] =	stream.indirect_vreg.gather [hbm4b:s1+s3], $0x80, v7, vm0, $0xb8;
	[tilespmem:$0x19E00] =	vst v63  }
0x237: {  	s16 =	simm.s32 $0xCE00  }
0x238: {  	[tilespmem:s16], [sflag:$0x2] =	stream.indirect_vreg.gather [hbm4b:s5+s3], $0x80, v7, vm0, $0xb8;
	[tilespmem:$0x19E00] =	vst v63  }
0x239: {  	s16 =	simm.s32 $0xD600  }
0x23a: {  	[tilespmem:s16], [sflag:$0x2] =	stream.indirect_vreg.gather [hbm4b:s1+s3], $0x80, v6, vm0, $0xb8;
	[tilespmem:$0x19E00] =	vst v63  }
0x23b: {  	s16 =	simm.s32 $0xDE00  }
0x23c: {  	[tilespmem:s16], [sflag:$0x2] =	stream.indirect_vreg.gather [hbm4b:s5+s3], $0x80, v6, vm0, $0xb8;
	[tilespmem:$0x19E00] =	vst v63  }
0x23d: {  	v6 =	vld [tilespmem:$0x4F0];
	_ =	sdelay $0x4  }
0x23e: {  	v7 =	vshll.u32 v6, $0x2  }
0x23f: {  	v6 =	vand.u32 $0x7, v6;
	v7 =	vand.u32 $0xFFFFFFE0, v7  }
0x240: {  	v6 =	vor.u32 v6, v7  }
0x241: {  	v7 =	vperm.xlane v6, v1;
	_ =	sdelay $0x1  }
0x242: {  	v7 =	vadd.s32 v2, v7;
	_ =	sdelay $0x1  }
0x243: {  	v6 =	vperm.xlane v6, v3;
	_ =	sdelay $0x1  }
0x244: {  	s16 =	simm.s32 $0xE600;
	v6 =	vadd.s32 v2, v6  }
0x245: {  	[tilespmem:s16], [sflag:$0x2] =	stream.indirect_vreg.gather [hbm4b:s1+s3], $0x80, v7, vm0, $0xb8;
	[tilespmem:$0x19E00] =	vst v63  }
0x246: {  	s16 =	simm.s32 $0xEE00  }
0x247: {  	[tilespmem:s16], [sflag:$0x2] =	stream.indirect_vreg.gather [hbm4b:s5+s3], $0x80, v7, vm0, $0xb8;
	[tilespmem:$0x19E00] =	vst v63  }
0x248: {  	s16 =	simm.s32 $0xF600  }
0x249: {  	[tilespmem:s16], [sflag:$0x2] =	stream.indirect_vreg.gather [hbm4b:s1+s3], $0x80, v6, vm0, $0xb8;
	[tilespmem:$0x19E00] =	vst v63  }
0x24a: {  	s16 =	simm.s32 $0xFE00  }
0x24b: {  	[tilespmem:s16], [sflag:$0x2] =	stream.indirect_vreg.gather [hbm4b:s5+s3], $0x80, v6, vm0, $0xb8;
	[tilespmem:$0x19E00] =	vst v63  }
0x24c: {  	_ =	swait.ge [sflag:s6], $0x8000  }
0x24d: {  	[sflag:s6] =	ssyncset.done $0x0  }
0x24e: {  	s16 =	rddreg [dreg:$0x11];
	[sflag:s6] =	ssyncadd.s32 $0xFFFF8000  }
0x24f: {  	[hbm4b:s16+s3] =	stream.linear.scatter [tilespmem:s28], [sflag:$0x4], $0x8000, $0x38;
	[tilespmem:$0x19E00] =	vst v63  }
0x250: {  	_ =	swait.ge [sflag:s2], $0x8000  }
0x251: {  	[sflag:s2] =	ssyncset.done $0x0  }
0x252: {  	[sflag:s2] =	ssyncadd.s32 $0xFFFF8000  }
0x253: {  	v6 =	vld [tilespmem:$0x500];
	_ =	sdelay $0x4  }
0x254: {  	v7 =	vshll.u32 v6, $0x2  }
0x255: {  	v6 =	vand.u32 $0x7, v6;
	v7 =	vand.u32 $0xFFFFFFE0, v7  }
0x256: {  	v6 =	vor.u32 v6, v7  }
0x257: {  	v7 =	vperm.xlane v6, v1;
	_ =	sdelay $0x1  }
0x258: {  	v7 =	vadd.s32 v2, v7;
	_ =	sdelay $0x1  }
0x259: {  	v6 =	vperm.xlane v6, v3;
	_ =	sdelay $0x1  }
0x25a: {  	v6 =	vadd.s32 v2, v6  }
0x25b: {  	[tilespmem:s11], [sflag:$0x3] =	stream.indirect_vreg.gather [hbm4b:s1+s3], $0x80, v7, vm0, $0xb8;
	[tilespmem:$0x19E00] =	vst v63  }
0x25c: {  	_ = 	snop  }
0x25d: {  	[tilespmem:s31], [sflag:$0x3] =	stream.indirect_vreg.gather [hbm4b:s5+s3], $0x80, v7, vm0, $0xb8;
	[tilespmem:$0x19E00] =	vst v63  }
0x25e: {  	s17 =	simm.s32 $0x11600  }
0x25f: {  	[tilespmem:s17], [sflag:$0x3] =	stream.indirect_vreg.gather [hbm4b:s1+s3], $0x80, v6, vm0, $0xb8;
	[tilespmem:$0x19E00] =	vst v63  }
0x260: {  	s31 =	simm.s32 $0x11E00  }
0x261: {  	[tilespmem:s31], [sflag:$0x3] =	stream.indirect_vreg.gather [hbm4b:s5+s3], $0x80, v6, vm0, $0xb8;
	[tilespmem:$0x19E00] =	vst v63  }
0x262: {  	v6 =	vld [tilespmem:$0x510];
	_ =	sdelay $0x4  }
0x263: {  	v7 =	vshll.u32 v6, $0x2  }
0x264: {  	v6 =	vand.u32 $0x7, v6;
	v7 =	vand.u32 $0xFFFFFFE0, v7  }
0x265: {  	v6 =	vor.u32 v6, v7  }
0x266: {  	v7 =	vperm.xlane v6, v1;
	_ =	sdelay $0x1  }
0x267: {  	v7 =	vadd.s32 v2, v7;
	_ =	sdelay $0x1  }
0x268: {  	v6 =	vperm.xlane v6, v3;
	_ =	sdelay $0x1  }
0x269: {  	s17 =	simm.s32 $0x12600;
	v6 =	vadd.s32 v2, v6  }
0x26a: {  	[tilespmem:s17], [sflag:$0x3] =	stream.indirect_vreg.gather [hbm4b:s1+s3], $0x80, v7, vm0, $0xb8;
	[tilespmem:$0x19E00] =	vst v63  }
0x26b: {  	_ = 	snop  }
0x26c: {  	[tilespmem:s4], [sflag:$0x3] =	stream.indirect_vreg.gather [hbm4b:s5+s3], $0x80, v7, vm0, $0xb8;
	[tilespmem:$0x19E00] =	vst v63  }
0x26d: {  	_ = 	snop  }
0x26e: {  	[tilespmem:s18], [sflag:$0x3] =	stream.indirect_vreg.gather [hbm4b:s1+s3], $0x80, v6, vm0, $0xb8;
	[tilespmem:$0x19E00] =	vst v63  }
0x26f: {  	_ = 	snop  }
0x270: {  	[tilespmem:s19], [sflag:$0x3] =	stream.indirect_vreg.gather [hbm4b:s5+s3], $0x80, v6, vm0, $0xb8;
	[tilespmem:$0x19E00] =	vst v63  }
0x271: {  	v6 =	vld [tilespmem:$0x520];
	_ =	sdelay $0x4  }
0x272: {  	v7 =	vshll.u32 v6, $0x2  }
0x273: {  	v6 =	vand.u32 $0x7, v6;
	v7 =	vand.u32 $0xFFFFFFE0, v7  }
0x274: {  	v6 =	vor.u32 v6, v7  }
0x275: {  	v7 =	vperm.xlane v6, v1;
	_ =	sdelay $0x1  }
0x276: {  	v7 =	vadd.s32 v2, v7;
	_ =	sdelay $0x1  }
0x277: {  	v6 =	vperm.xlane v6, v3;
	_ =	sdelay $0x1  }
0x278: {  	v6 =	vadd.s32 v2, v6  }
0x279: {  	[tilespmem:s20], [sflag:$0x3] =	stream.indirect_vreg.gather [hbm4b:s1+s3], $0x80, v7, vm0, $0xb8;
	[tilespmem:$0x19E00] =	vst v63  }
0x27a: {  	_ = 	snop  }
0x27b: {  	[tilespmem:s21], [sflag:$0x3] =	stream.indirect_vreg.gather [hbm4b:s5+s3], $0x80, v7, vm0, $0xb8;
	[tilespmem:$0x19E00] =	vst v63  }
0x27c: {  	_ = 	snop  }
0x27d: {  	[tilespmem:s22], [sflag:$0x3] =	stream.indirect_vreg.gather [hbm4b:s1+s3], $0x80, v6, vm0, $0xb8;
	[tilespmem:$0x19E00] =	vst v63  }
0x27e: {  	_ = 	snop  }
0x27f: {  	[tilespmem:s23], [sflag:$0x3] =	stream.indirect_vreg.gather [hbm4b:s5+s3], $0x80, v6, vm0, $0xb8;
	[tilespmem:$0x19E00] =	vst v63  }
0x280: {  	v6 =	vld [tilespmem:$0x530];
	_ =	sdelay $0x4  }
0x281: {  	v7 =	vshll.u32 v6, $0x2  }
0x282: {  	v6 =	vand.u32 $0x7, v6;
	v7 =	vand.u32 $0xFFFFFFE0, v7  }
0x283: {  	v6 =	vor.u32 v6, v7  }
0x284: {  	v7 =	vperm.xlane v6, v1;
	_ =	sdelay $0x1  }
0x285: {  	v7 =	vadd.s32 v2, v7;
	_ =	sdelay $0x1  }
0x286: {  	v6 =	vperm.xlane v6, v3;
	_ =	sdelay $0x1  }
0x287: {  	v6 =	vadd.s32 v2, v6  }
0x288: {  	[tilespmem:s24], [sflag:$0x3] =	stream.indirect_vreg.gather [hbm4b:s1+s3], $0x80, v7, vm0, $0xb8;
	[tilespmem:$0x19E00] =	vst v63  }
0x289: {  	_ = 	snop  }
0x28a: {  	[tilespmem:s25], [sflag:$0x3] =	stream.indirect_vreg.gather [hbm4b:s5+s3], $0x80, v7, vm0, $0xb8;
	[tilespmem:$0x19E00] =	vst v63  }
0x28b: {  	_ = 	snop  }
0x28c: {  	[tilespmem:s29], [sflag:$0x3] =	stream.indirect_vreg.gather [hbm4b:s1+s3], $0x80, v6, vm0, $0xb8;
	[tilespmem:$0x19E00] =	vst v63  }
0x28d: {  	_ = 	snop  }
0x28e: {  	[tilespmem:s30], [sflag:$0x3] =	stream.indirect_vreg.gather [hbm4b:s5+s3], $0x80, v6, vm0, $0xb8;
	[tilespmem:$0x19E00] =	vst v63  }
0x28f: {  	_ =	swait.ge [sflag:s7], $0x8000  }
0x290: {  	[sflag:s7] =	ssyncset.done $0x0  }
0x291: {  	s29 =	rddreg [dreg:$0x12];
	[sflag:s7] =	ssyncadd.s32 $0xFFFF8000  }
0x292: {  	[hbm4b:s29+s3] =	stream.linear.scatter [tilespmem:s15], [sflag:$0x5], $0x8000, $0x38;
	[tilespmem:$0x19E00] =	vst v63  }
0x293: {  	_ =	swait.ge [sflag:s8], $0x8000  }
0x294: {  	[sflag:s8] =	ssyncset.done $0x0  }
0x295: {  	[sflag:s8] =	ssyncadd.s32 $0xFFFF8000  }
0x296: {  	v6 =	vld [tilespmem:$0x540];
	_ =	sdelay $0x4  }
0x297: {  	v7 =	vshll.u32 v6, $0x2  }
0x298: {  	v6 =	vand.u32 $0x7, v6;
	v7 =	vand.u32 $0xFFFFFFE0, v7  }
0x299: {  	v6 =	vor.u32 v6, v7  }
0x29a: {  	v7 =	vperm.xlane v6, v1;
	_ =	sdelay $0x1  }
0x29b: {  	v7 =	vadd.s32 v2, v7;
	_ =	sdelay $0x1  }
0x29c: {  	v6 =	vperm.xlane v6, v3;
	_ =	sdelay $0x1  }
0x29d: {  	v6 =	vadd.s32 v2, v6  }
0x29e: {  	[tilespmem:s28], [sflag:$0x1] =	stream.indirect_vreg.gather [hbm4b:s1+s3], $0x80, v7, vm0, $0xb8;
	[tilespmem:$0x19E00] =	vst v63  }
0x29f: {  	_ = 	snop  }
0x2a0: {  	[tilespmem:s9], [sflag:$0x1] =	stream.indirect_vreg.gather [hbm4b:s5+s3], $0x80, v7, vm0, $0xb8;
	[tilespmem:$0x19E00] =	vst v63  }
0x2a1: {  	s30 =	simm.s32 $0x1600  }
0x2a2: {  	[tilespmem:s30], [sflag:$0x1] =	stream.indirect_vreg.gather [hbm4b:s1+s3], $0x80, v6, vm0, $0xb8;
	[tilespmem:$0x19E00] =	vst v63  }
0x2a3: {  	s31 =	simm.s32 $0x1E00  }
0x2a4: {  	[tilespmem:s31], [sflag:$0x1] =	stream.indirect_vreg.gather [hbm4b:s5+s3], $0x80, v6, vm0, $0xb8;
	[tilespmem:$0x19E00] =	vst v63  }
0x2a5: {  	v6 =	vld [tilespmem:$0x550];
	_ =	sdelay $0x4  }
0x2a6: {  	v7 =	vshll.u32 v6, $0x2  }
0x2a7: {  	v6 =	vand.u32 $0x7, v6;
	v7 =	vand.u32 $0xFFFFFFE0, v7  }
0x2a8: {  	v6 =	vor.u32 v6, v7  }
0x2a9: {  	v7 =	vperm.xlane v6, v1;
	_ =	sdelay $0x1  }
0x2aa: {  	v7 =	vadd.s32 v2, v7;
	_ =	sdelay $0x1  }
0x2ab: {  	v6 =	vperm.xlane v6, v3;
	_ =	sdelay $0x1  }
0x2ac: {  	s9 =	simm.s32 $0x2600;
	v6 =	vadd.s32 v2, v6  }
0x2ad: {  	[tilespmem:s9], [sflag:$0x1] =	stream.indirect_vreg.gather [hbm4b:s1+s3], $0x80, v7, vm0, $0xb8;
	[tilespmem:$0x19E00] =	vst v63  }
0x2ae: {  	s16 =	simm.s32 $0x2E00  }
0x2af: {  	[tilespmem:s16], [sflag:$0x1] =	stream.indirect_vreg.gather [hbm4b:s5+s3], $0x80, v7, vm0, $0xb8;
	[tilespmem:$0x19E00] =	vst v63  }
0x2b0: {  	s17 =	simm.s32 $0x3600  }
0x2b1: {  	[tilespmem:s17], [sflag:$0x1] =	stream.indirect_vreg.gather [hbm4b:s1+s3], $0x80, v6, vm0, $0xb8;
	[tilespmem:$0x19E00] =	vst v63  }
0x2b2: {  	s18 =	simm.s32 $0x3E00  }
0x2b3: {  	[tilespmem:s18], [sflag:$0x1] =	stream.indirect_vreg.gather [hbm4b:s5+s3], $0x80, v6, vm0, $0xb8;
	[tilespmem:$0x19E00] =	vst v63  }
0x2b4: {  	v6 =	vld [tilespmem:$0x560];
	_ =	sdelay $0x4  }
0x2b5: {  	v7 =	vshll.u32 v6, $0x2  }
0x2b6: {  	v6 =	vand.u32 $0x7, v6;
	v7 =	vand.u32 $0xFFFFFFE0, v7  }
0x2b7: {  	v6 =	vor.u32 v6, v7  }
0x2b8: {  	v7 =	vperm.xlane v6, v1;
	_ =	sdelay $0x1  }
0x2b9: {  	v7 =	vadd.s32 v2, v7;
	_ =	sdelay $0x1  }
0x2ba: {  	v6 =	vperm.xlane v6, v3;
	_ =	sdelay $0x1  }
0x2bb: {  	s19 =	simm.s32 $0x4600;
	v6 =	vadd.s32 v2, v6  }
0x2bc: {  	[tilespmem:s19], [sflag:$0x1] =	stream.indirect_vreg.gather [hbm4b:s1+s3], $0x80, v7, vm0, $0xb8;
	[tilespmem:$0x19E00] =	vst v63  }
0x2bd: {  	s20 =	simm.s32 $0x4E00  }
0x2be: {  	[tilespmem:s20], [sflag:$0x1] =	stream.indirect_vreg.gather [hbm4b:s5+s3], $0x80, v7, vm0, $0xb8;
	[tilespmem:$0x19E00] =	vst v63  }
0x2bf: {  	s21 =	simm.s32 $0x5600  }
0x2c0: {  	[tilespmem:s21], [sflag:$0x1] =	stream.indirect_vreg.gather [hbm4b:s1+s3], $0x80, v6, vm0, $0xb8;
	[tilespmem:$0x19E00] =	vst v63  }
0x2c1: {  	s22 =	simm.s32 $0x5E00  }
0x2c2: {  	[tilespmem:s22], [sflag:$0x1] =	stream.indirect_vreg.gather [hbm4b:s5+s3], $0x80, v6, vm0, $0xb8;
	[tilespmem:$0x19E00] =	vst v63  }
0x2c3: {  	v6 =	vld [tilespmem:$0x570];
	_ =	sdelay $0x4  }
0x2c4: {  	v7 =	vshll.u32 v6, $0x2  }
0x2c5: {  	v6 =	vand.u32 $0x7, v6;
	v7 =	vand.u32 $0xFFFFFFE0, v7  }
0x2c6: {  	v6 =	vor.u32 v6, v7  }
0x2c7: {  	v7 =	vperm.xlane v6, v1;
	_ =	sdelay $0x1  }
0x2c8: {  	v7 =	vadd.s32 v2, v7;
	_ =	sdelay $0x1  }
0x2c9: {  	v6 =	vperm.xlane v6, v3;
	_ =	sdelay $0x1  }
0x2ca: {  	s23 =	simm.s32 $0x6600;
	v6 =	vadd.s32 v2, v6  }
0x2cb: {  	[tilespmem:s23], [sflag:$0x1] =	stream.indirect_vreg.gather [hbm4b:s1+s3], $0x80, v7, vm0, $0xb8;
	[tilespmem:$0x19E00] =	vst v63  }
0x2cc: {  	s24 =	simm.s32 $0x6E00  }
0x2cd: {  	[tilespmem:s24], [sflag:$0x1] =	stream.indirect_vreg.gather [hbm4b:s5+s3], $0x80, v7, vm0, $0xb8;
	[tilespmem:$0x19E00] =	vst v63  }
0x2ce: {  	s25 =	simm.s32 $0x7600  }
0x2cf: {  	[tilespmem:s25], [sflag:$0x1] =	stream.indirect_vreg.gather [hbm4b:s1+s3], $0x80, v6, vm0, $0xb8;
	[tilespmem:$0x19E00] =	vst v63  }
0x2d0: {  	s29 =	simm.s32 $0x7E00  }
0x2d1: {  	[tilespmem:s29], [sflag:$0x1] =	stream.indirect_vreg.gather [hbm4b:s5+s3], $0x80, v6, vm0, $0xb8;
	[tilespmem:$0x19E00] =	vst v63  }
0x2d2: {  	_ =	swait.ge [sflag:s0], $0x8000  }
0x2d3: {  	[sflag:s0] =	ssyncset.done $0x0  }
0x2d4: {  	s30 =	rddreg [dreg:$0x13];
	[sflag:s0] =	ssyncadd.s32 $0xFFFF8000  }
0x2d5: {  	[hbm4b:s30+s3] =	stream.linear.scatter [tilespmem:s11], [sflag:$0x6], $0x8000, $0x38;
	[tilespmem:$0x19E00] =	vst v63  }
0x2d6: {  	_ =	swait.ge [sflag:s10], $0x8000  }
0x2d7: {  	[sflag:s10] =	ssyncset.done $0x0  }
0x2d8: {  	[sflag:s10] =	ssyncadd.s32 $0xFFFF8000  }
0x2d9: {  	v6 =	vld [tilespmem:$0x580];
	_ =	sdelay $0x4  }
0x2da: {  	v7 =	vshll.u32 v6, $0x2  }
0x2db: {  	v6 =	vand.u32 $0x7, v6;
	v7 =	vand.u32 $0xFFFFFFE0, v7  }
0x2dc: {  	v6 =	vor.u32 v6, v7  }
0x2dd: {  	v7 =	vperm.xlane v6, v1;
	_ =	sdelay $0x1  }
0x2de: {  	v7 =	vadd.s32 v2, v7;
	_ =	sdelay $0x1  }
0x2df: {  	v6 =	vperm.xlane v6, v3;
	_ =	sdelay $0x1  }
0x2e0: {  	v6 =	vadd.s32 v2, v6  }
0x2e1: {  	[tilespmem:s15], [sflag:$0x2] =	stream.indirect_vreg.gather [hbm4b:s1+s3], $0x80, v7, vm0, $0xb8;
	[tilespmem:$0x19E00] =	vst v63  }
0x2e2: {  	s31 =	simm.s32 $0x8E00  }
0x2e3: {  	[tilespmem:s31], [sflag:$0x2] =	stream.indirect_vreg.gather [hbm4b:s5+s3], $0x80, v7, vm0, $0xb8;
	[tilespmem:$0x19E00] =	vst v63  }
0x2e4: {  	s4 =	simm.s32 $0x9600  }
0x2e5: {  	[tilespmem:s4], [sflag:$0x2] =	stream.indirect_vreg.gather [hbm4b:s1+s3], $0x80, v6, vm0, $0xb8;
	[tilespmem:$0x19E00] =	vst v63  }
0x2e6: {  	s9 =	simm.s32 $0x9E00  }
0x2e7: {  	[tilespmem:s9], [sflag:$0x2] =	stream.indirect_vreg.gather [hbm4b:s5+s3], $0x80, v6, vm0, $0xb8;
	[tilespmem:$0x19E00] =	vst v63  }
0x2e8: {  	v6 =	vld [tilespmem:$0x590];
	_ =	sdelay $0x4  }
0x2e9: {  	v7 =	vshll.u32 v6, $0x2  }
0x2ea: {  	v6 =	vand.u32 $0x7, v6;
	v7 =	vand.u32 $0xFFFFFFE0, v7  }
0x2eb: {  	v6 =	vor.u32 v6, v7  }
0x2ec: {  	v7 =	vperm.xlane v6, v1;
	_ =	sdelay $0x1  }
0x2ed: {  	v7 =	vadd.s32 v2, v7;
	_ =	sdelay $0x1  }
0x2ee: {  	v6 =	vperm.xlane v6, v3;
	_ =	sdelay $0x1  }
0x2ef: {  	s11 =	simm.s32 $0xA600;
	v6 =	vadd.s32 v2, v6  }
0x2f0: {  	[tilespmem:s11], [sflag:$0x2] =	stream.indirect_vreg.gather [hbm4b:s1+s3], $0x80, v7, vm0, $0xb8;
	[tilespmem:$0x19E00] =	vst v63  }
0x2f1: {  	s16 =	simm.s32 $0xAE00  }
0x2f2: {  	[tilespmem:s16], [sflag:$0x2] =	stream.indirect_vreg.gather [hbm4b:s5+s3], $0x80, v7, vm0, $0xb8;
	[tilespmem:$0x19E00] =	vst v63  }
0x2f3: {  	s17 =	simm.s32 $0xB600  }
0x2f4: {  	[tilespmem:s17], [sflag:$0x2] =	stream.indirect_vreg.gather [hbm4b:s1+s3], $0x80, v6, vm0, $0xb8;
	[tilespmem:$0x19E00] =	vst v63  }
0x2f5: {  	s18 =	simm.s32 $0xBE00  }
0x2f6: {  	[tilespmem:s18], [sflag:$0x2] =	stream.indirect_vreg.gather [hbm4b:s5+s3], $0x80, v6, vm0, $0xb8;
	[tilespmem:$0x19E00] =	vst v63  }
0x2f7: {  	v6 =	vld [tilespmem:$0x5A0];
	_ =	sdelay $0x4  }
0x2f8: {  	v7 =	vshll.u32 v6, $0x2  }
0x2f9: {  	v6 =	vand.u32 $0x7, v6;
	v7 =	vand.u32 $0xFFFFFFE0, v7  }
0x2fa: {  	v6 =	vor.u32 v6, v7  }
0x2fb: {  	v7 =	vperm.xlane v6, v1;
	_ =	sdelay $0x1  }
0x2fc: {  	v7 =	vadd.s32 v2, v7;
	_ =	sdelay $0x1  }
0x2fd: {  	v6 =	vperm.xlane v6, v3;
	_ =	sdelay $0x1  }
0x2fe: {  	s19 =	simm.s32 $0xC600;
	v6 =	vadd.s32 v2, v6  }
0x2ff: {  	[tilespmem:s19], [sflag:$0x2] =	stream.indirect_vreg.gather [hbm4b:s1+s3], $0x80, v7, vm0, $0xb8;
	[tilespmem:$0x19E00] =	vst v63  }
0x300: {  	s20 =	simm.s32 $0xCE00  }
0x301: {  	[tilespmem:s20], [sflag:$0x2] =	stream.indirect_vreg.gather [hbm4b:s5+s3], $0x80, v7, vm0, $0xb8;
	[tilespmem:$0x19E00] =	vst v63  }
0x302: {  	s21 =	simm.s32 $0xD600  }
0x303: {  	[tilespmem:s21], [sflag:$0x2] =	stream.indirect_vreg.gather [hbm4b:s1+s3], $0x80, v6, vm0, $0xb8;
	[tilespmem:$0x19E00] =	vst v63  }
0x304: {  	s22 =	simm.s32 $0xDE00  }
0x305: {  	[tilespmem:s22], [sflag:$0x2] =	stream.indirect_vreg.gather [hbm4b:s5+s3], $0x80, v6, vm0, $0xb8;
	[tilespmem:$0x19E00] =	vst v63  }
0x306: {  	v6 =	vld [tilespmem:$0x5B0];
	_ =	sdelay $0x4  }
0x307: {  	v7 =	vshll.u32 v6, $0x2  }
0x308: {  	v6 =	vand.u32 $0x7, v6;
	v7 =	vand.u32 $0xFFFFFFE0, v7  }
0x309: {  	v6 =	vor.u32 v6, v7  }
0x30a: {  	v7 =	vperm.xlane v6, v1;
	_ =	sdelay $0x1  }
0x30b: {  	v7 =	vadd.s32 v2, v7;
	_ =	sdelay $0x1  }
0x30c: {  	v6 =	vperm.xlane v6, v3;
	_ =	sdelay $0x1  }
0x30d: {  	s23 =	simm.s32 $0xE600;
	v6 =	vadd.s32 v2, v6  }
0x30e: {  	[tilespmem:s23], [sflag:$0x2] =	stream.indirect_vreg.gather [hbm4b:s1+s3], $0x80, v7, vm0, $0xb8;
	[tilespmem:$0x19E00] =	vst v63  }
0x30f: {  	s24 =	simm.s32 $0xEE00  }
0x310: {  	[tilespmem:s24], [sflag:$0x2] =	stream.indirect_vreg.gather [hbm4b:s5+s3], $0x80, v7, vm0, $0xb8;
	[tilespmem:$0x19E00] =	vst v63  }
0x311: {  	s25 =	simm.s32 $0xF600  }
0x312: {  	[tilespmem:s25], [sflag:$0x2] =	stream.indirect_vreg.gather [hbm4b:s1+s3], $0x80, v6, vm0, $0xb8;
	[tilespmem:$0x19E00] =	vst v63  }
0x313: {  	s29 =	simm.s32 $0xFE00  }
0x314: {  	[tilespmem:s29], [sflag:$0x2] =	stream.indirect_vreg.gather [hbm4b:s5+s3], $0x80, v6, vm0, $0xb8;
	[tilespmem:$0x19E00] =	vst v63  }
0x315: {  	_ =	swait.ge [sflag:s6], $0x8000  }
0x316: {  	[sflag:s6] =	ssyncset.done $0x0  }
0x317: {  	s30 =	rddreg [dreg:$0x14];
	[sflag:s6] =	ssyncadd.s32 $0xFFFF8000  }
0x318: {  	[hbm4b:s30+s3] =	stream.linear.scatter [tilespmem:s28], [sflag:$0x4], $0x8000, $0x38;
	[tilespmem:$0x19E00] =	vst v63  }
0x319: {  	_ =	swait.ge [sflag:s7], $0x8000  }
0x31a: {  	[sflag:s7] =	ssyncset.done $0x0  }
0x31b: {  	s31 =	rddreg [dreg:$0x15];
	[sflag:s7] =	ssyncadd.s32 $0xFFFF8000  }
0x31c: {  	[hbm4b:s31+s3] =	stream.linear.scatter [tilespmem:s15], [sflag:$0x5], $0x8000, $0x38;
	[tilespmem:$0x19E00] =	vst v63  }
0x31d: {  	_ =	swait.ge [sflag:s2], $0x8000  }
0x31e: {  	[sflag:s2] =	ssyncset.done $0x0  }
0x31f: {  	[sflag:s2] =	ssyncadd.s32 $0xFFFF8000  }
0x320: {  	_ =	swait.ge [sflag:s8], $0x8000  }
.Ltmp4:
0x321: {  	[sflag:s8] =	ssyncset.done $0x0;
	(pc) =	sbr.rel .LBB2_16-.Ltmp4, $4  }
0x322: {  	[sflag:s8] =	ssyncadd.s32 $0xFFFF8000  }
0x323: {  	_ =	swait.ge [sflag:s10], $0x8000  }
0x324: {  	[sflag:s10] =	ssyncset.done $0x0  }
0x325: {  	[sflag:s10] =	ssyncadd.s32 $0xFFFF8000  }
.LBB2_5:
0x326: {  	s17 =	rddreg [dreg:$0x5]  }
0x327: {  	[tilespmem:s16], [sflag:$0x7] =	stream.linear.gather [hbm4b:s17+s16], $0x140, $0x38;
	[tilespmem:$0x19E00] =	vst v63  }
0x328: {  	_ =	swait.ge [sflag:s26], $0x140  }
0x329: {  	[sflag:s26] =	ssyncset.done $0x0  }
0x32a: {  	s16 =	simm.s32 $0x0;
	[sflag:s26] =	ssyncadd.s32 $0xFFFFFEC0  }
0x32b: {  	v6 =	vld [tilespmem:s16+$0x0]  }
0x32c: {  	s17 =	simm.s32 $0x40  }
.LBB2_6:
0x32d: {  	p1 =	sne.s32 s17, $0x4C0  }
.Ltmp5:
0x32e: {  	_ = 	snop;
	(pc) =	sbr.rel @p1 .LBB2_6-.Ltmp5, $4  }
0x32f: {  	_ = 	snop  }
0x330: {  	s18 =	sshra.s32 s17, $0x2;
	s17 =	sadd.s32 $0x40, s17;
	v7 =	vshll.u32 v6, $0x4  }
0x331: {  	v6 =	vld [tilespmem:s18+$0x0];
	v7 =	vor.u32 v0, v7  }
0x332: {  	[tilespmem:s16+$0x300] =	vst v7;
	s16 =	smov.u32 s18  }
0x333: {  	_ =	sdelay $0x2  }
0x334: {  	v6 =	vshll.u32 v6, $0x4  }
0x335: {  	v6 =	vor.u32 v0, v6  }
0x336: {  	[tilespmem:s16+$0x300] =	vst v6  }
0x337: {  	v6 =	vld [tilespmem:$0x300];
	_ =	sdelay $0x4  }
0x338: {  	v7 =	vshll.u32 v6, $0x2  }
0x339: {  	v6 =	vand.u32 $0x7, v6;
	v7 =	vand.u32 $0xFFFFFFE0, v7  }
0x33a: {  	v6 =	vor.u32 v6, v7  }
0x33b: {  	v7 =	vperm.xlane v6, v1;
	_ =	sdelay $0x1  }
0x33c: {  	v7 =	vadd.s32 v2, v7;
	_ =	sdelay $0x1  }
0x33d: {  	v6 =	vperm.xlane v6, v3;
	_ =	sdelay $0x1  }
0x33e: {  	s16 =	simm.s32 $0x0;
	v6 =	vadd.s32 v2, v6  }
0x33f: {  	[tilespmem:s28], [sflag:$0x1] =	stream.indirect_vreg.gather [hbm4b:s1+s16], $0x80, v7, vm0, $0xb8;
	[tilespmem:$0x19E00] =	vst v63  }
0x340: {  	s18 =	simm.s32 $0xE00  }
0x341: {  	[tilespmem:s18], [sflag:$0x1] =	stream.indirect_vreg.gather [hbm4b:s5+s16], $0x80, v7, vm0, $0xb8;
	[tilespmem:$0x19E00] =	vst v63  }
0x342: {  	s19 =	simm.s32 $0x1600  }
0x343: {  	[tilespmem:s19], [sflag:$0x1] =	stream.indirect_vreg.gather [hbm4b:s1+s16], $0x80, v6, vm0, $0xb8;
	[tilespmem:$0x19E00] =	vst v63  }
0x344: {  	s20 =	simm.s32 $0x1E00  }
0x345: {  	[tilespmem:s20], [sflag:$0x1] =	stream.indirect_vreg.gather [hbm4b:s5+s16], $0x80, v6, vm0, $0xb8;
	[tilespmem:$0x19E00] =	vst v63  }
0x346: {  	v6 =	vld [tilespmem:$0x310];
	_ =	sdelay $0x4  }
0x347: {  	v7 =	vshll.u32 v6, $0x2  }
0x348: {  	v6 =	vand.u32 $0x7, v6;
	v7 =	vand.u32 $0xFFFFFFE0, v7  }
0x349: {  	v6 =	vor.u32 v6, v7  }
0x34a: {  	v7 =	vperm.xlane v6, v1;
	_ =	sdelay $0x1  }
0x34b: {  	v7 =	vadd.s32 v2, v7;
	_ =	sdelay $0x1  }
0x34c: {  	v6 =	vperm.xlane v6, v3;
	_ =	sdelay $0x1  }
0x34d: {  	s21 =	simm.s32 $0x2600;
	v6 =	vadd.s32 v2, v6  }
0x34e: {  	[tilespmem:s21], [sflag:$0x1] =	stream.indirect_vreg.gather [hbm4b:s1+s16], $0x80, v7, vm0, $0xb8;
	[tilespmem:$0x19E00] =	vst v63  }
0x34f: {  	s22 =	simm.s32 $0x2E00  }
0x350: {  	[tilespmem:s22], [sflag:$0x1] =	stream.indirect_vreg.gather [hbm4b:s5+s16], $0x80, v7, vm0, $0xb8;
	[tilespmem:$0x19E00] =	vst v63  }
0x351: {  	s23 =	simm.s32 $0x3600  }
0x352: {  	[tilespmem:s23], [sflag:$0x1] =	stream.indirect_vreg.gather [hbm4b:s1+s16], $0x80, v6, vm0, $0xb8;
	[tilespmem:$0x19E00] =	vst v63  }
0x353: {  	s24 =	simm.s32 $0x3E00  }
0x354: {  	[tilespmem:s24], [sflag:$0x1] =	stream.indirect_vreg.gather [hbm4b:s5+s16], $0x80, v6, vm0, $0xb8;
	[tilespmem:$0x19E00] =	vst v63  }
0x355: {  	v6 =	vld [tilespmem:$0x320];
	_ =	sdelay $0x4  }
0x356: {  	v7 =	vshll.u32 v6, $0x2  }
0x357: {  	v6 =	vand.u32 $0x7, v6;
	v7 =	vand.u32 $0xFFFFFFE0, v7  }
0x358: {  	v6 =	vor.u32 v6, v7  }
0x359: {  	v7 =	vperm.xlane v6, v1;
	_ =	sdelay $0x1  }
0x35a: {  	v7 =	vadd.s32 v2, v7;
	_ =	sdelay $0x1  }
0x35b: {  	v6 =	vperm.xlane v6, v3;
	_ =	sdelay $0x1  }
0x35c: {  	s25 =	simm.s32 $0x4600;
	v6 =	vadd.s32 v2, v6  }
0x35d: {  	[tilespmem:s25], [sflag:$0x1] =	stream.indirect_vreg.gather [hbm4b:s1+s16], $0x80, v7, vm0, $0xb8;
	[tilespmem:$0x19E00] =	vst v63  }
0x35e: {  	s29 =	simm.s32 $0x4E00  }
0x35f: {  	[tilespmem:s29], [sflag:$0x1] =	stream.indirect_vreg.gather [hbm4b:s5+s16], $0x80, v7, vm0, $0xb8;
	[tilespmem:$0x19E00] =	vst v63  }
0x360: {  	s30 =	simm.s32 $0x5600  }
0x361: {  	[tilespmem:s30], [sflag:$0x1] =	stream.indirect_vreg.gather [hbm4b:s1+s16], $0x80, v6, vm0, $0xb8;
	[tilespmem:$0x19E00] =	vst v63  }
0x362: {  	s31 =	simm.s32 $0x5E00  }
0x363: {  	[tilespmem:s31], [sflag:$0x1] =	stream.indirect_vreg.gather [hbm4b:s5+s16], $0x80, v6, vm0, $0xb8;
	[tilespmem:$0x19E00] =	vst v63  }
0x364: {  	v6 =	vld [tilespmem:$0x330];
	_ =	sdelay $0x4  }
0x365: {  	v7 =	vshll.u32 v6, $0x2  }
0x366: {  	v6 =	vand.u32 $0x7, v6;
	v7 =	vand.u32 $0xFFFFFFE0, v7  }
0x367: {  	v6 =	vor.u32 v6, v7  }
0x368: {  	v7 =	vperm.xlane v6, v1;
	_ =	sdelay $0x1  }
0x369: {  	v7 =	vadd.s32 v2, v7;
	_ =	sdelay $0x1  }
0x36a: {  	v6 =	vperm.xlane v6, v3;
	_ =	sdelay $0x1  }
0x36b: {  	s11 =	simm.s32 $0x6600;
	v6 =	vadd.s32 v2, v6  }
0x36c: {  	[tilespmem:s11], [sflag:$0x1] =	stream.indirect_vreg.gather [hbm4b:s1+s16], $0x80, v7, vm0, $0xb8;
	[tilespmem:$0x19E00] =	vst v63  }
0x36d: {  	s2 =	simm.s32 $0x6E00  }
0x36e: {  	[tilespmem:s2], [sflag:$0x1] =	stream.indirect_vreg.gather [hbm4b:s5+s16], $0x80, v7, vm0, $0xb8;
	[tilespmem:$0x19E00] =	vst v63  }
0x36f: {  	s4 =	simm.s32 $0x7600  }
0x370: {  	[tilespmem:s4], [sflag:$0x1] =	stream.indirect_vreg.gather [hbm4b:s1+s16], $0x80, v6, vm0, $0xb8;
	[tilespmem:$0x19E00] =	vst v63  }
0x371: {  	s26 =	simm.s32 $0x7E00  }
0x372: {  	[tilespmem:s26], [sflag:$0x1] =	stream.indirect_vreg.gather [hbm4b:s5+s16], $0x80, v6, vm0, $0xb8;
	[tilespmem:$0x19E00] =	vst v63  }
0x373: {  	v6 =	vld [tilespmem:$0x340];
	_ =	sdelay $0x4  }
0x374: {  	v7 =	vshll.u32 v6, $0x2  }
0x375: {  	v6 =	vand.u32 $0x7, v6;
	v7 =	vand.u32 $0xFFFFFFE0, v7  }
0x376: {  	v6 =	vor.u32 v6, v7  }
0x377: {  	v7 =	vperm.xlane v6, v1;
	_ =	sdelay $0x1  }
0x378: {  	v7 =	vadd.s32 v2, v7;
	_ =	sdelay $0x1  }
0x379: {  	v6 =	vperm.xlane v6, v3;
	_ =	sdelay $0x1  }
0x37a: {  	v6 =	vadd.s32 v2, v6  }
0x37b: {  	[tilespmem:s15], [sflag:$0x2] =	stream.indirect_vreg.gather [hbm4b:s1+s16], $0x80, v7, vm0, $0xb8;
	[tilespmem:$0x19E00] =	vst v63  }
0x37c: {  	s28 =	simm.s32 $0x8E00  }
0x37d: {  	[tilespmem:s28], [sflag:$0x2] =	stream.indirect_vreg.gather [hbm4b:s5+s16], $0x80, v7, vm0, $0xb8;
	[tilespmem:$0x19E00] =	vst v63  }
0x37e: {  	s0 =	simm.s32 $0x9600  }
0x37f: {  	[tilespmem:s0], [sflag:$0x2] =	stream.indirect_vreg.gather [hbm4b:s1+s16], $0x80, v6, vm0, $0xb8;
	[tilespmem:$0x19E00] =	vst v63  }
0x380: {  	s17 =	simm.s32 $0x9E00  }
0x381: {  	[tilespmem:s17], [sflag:$0x2] =	stream.indirect_vreg.gather [hbm4b:s5+s16], $0x80, v6, vm0, $0xb8;
	[tilespmem:$0x19E00] =	vst v63  }
0x382: {  	v6 =	vld [tilespmem:$0x350];
	_ =	sdelay $0x4  }
0x383: {  	v7 =	vshll.u32 v6, $0x2  }
0x384: {  	v6 =	vand.u32 $0x7, v6;
	v7 =	vand.u32 $0xFFFFFFE0, v7  }
0x385: {  	v6 =	vor.u32 v6, v7  }
0x386: {  	v7 =	vperm.xlane v6, v1;
	_ =	sdelay $0x1  }
0x387: {  	v7 =	vadd.s32 v2, v7;
	_ =	sdelay $0x1  }
0x388: {  	v6 =	vperm.xlane v6, v3;
	_ =	sdelay $0x1  }
0x389: {  	s17 =	simm.s32 $0xA600;
	v6 =	vadd.s32 v2, v6  }
0x38a: {  	[tilespmem:s17], [sflag:$0x2] =	stream.indirect_vreg.gather [hbm4b:s1+s16], $0x80, v7, vm0, $0xb8;
	[tilespmem:$0x19E00] =	vst v63  }
0x38b: {  	s17 =	simm.s32 $0xAE00  }
0x38c: {  	[tilespmem:s17], [sflag:$0x2] =	stream.indirect_vreg.gather [hbm4b:s5+s16], $0x80, v7, vm0, $0xb8;
	[tilespmem:$0x19E00] =	vst v63  }
0x38d: {  	s17 =	simm.s32 $0xB600  }
0x38e: {  	[tilespmem:s17], [sflag:$0x2] =	stream.indirect_vreg.gather [hbm4b:s1+s16], $0x80, v6, vm0, $0xb8;
	[tilespmem:$0x19E00] =	vst v63  }
0x38f: {  	s17 =	simm.s32 $0xBE00  }
0x390: {  	[tilespmem:s17], [sflag:$0x2] =	stream.indirect_vreg.gather [hbm4b:s5+s16], $0x80, v6, vm0, $0xb8;
	[tilespmem:$0x19E00] =	vst v63  }
0x391: {  	v6 =	vld [tilespmem:$0x360];
	_ =	sdelay $0x4  }
0x392: {  	v7 =	vshll.u32 v6, $0x2  }
0x393: {  	v6 =	vand.u32 $0x7, v6;
	v7 =	vand.u32 $0xFFFFFFE0, v7  }
0x394: {  	v6 =	vor.u32 v6, v7  }
0x395: {  	v7 =	vperm.xlane v6, v1;
	_ =	sdelay $0x1  }
0x396: {  	v7 =	vadd.s32 v2, v7;
	_ =	sdelay $0x1  }
0x397: {  	v6 =	vperm.xlane v6, v3;
	_ =	sdelay $0x1  }
0x398: {  	s17 =	simm.s32 $0xC600;
	v6 =	vadd.s32 v2, v6  }
0x399: {  	[tilespmem:s17], [sflag:$0x2] =	stream.indirect_vreg.gather [hbm4b:s1+s16], $0x80, v7, vm0, $0xb8;
	[tilespmem:$0x19E00] =	vst v63  }
0x39a: {  	s17 =	simm.s32 $0xCE00  }
0x39b: {  	[tilespmem:s17], [sflag:$0x2] =	stream.indirect_vreg.gather [hbm4b:s5+s16], $0x80, v7, vm0, $0xb8;
	[tilespmem:$0x19E00] =	vst v63  }
0x39c: {  	s17 =	simm.s32 $0xD600  }
0x39d: {  	[tilespmem:s17], [sflag:$0x2] =	stream.indirect_vreg.gather [hbm4b:s1+s16], $0x80, v6, vm0, $0xb8;
	[tilespmem:$0x19E00] =	vst v63  }
0x39e: {  	s17 =	simm.s32 $0xDE00  }
0x39f: {  	[tilespmem:s17], [sflag:$0x2] =	stream.indirect_vreg.gather [hbm4b:s5+s16], $0x80, v6, vm0, $0xb8;
	[tilespmem:$0x19E00] =	vst v63  }
0x3a0: {  	v6 =	vld [tilespmem:$0x370];
	_ =	sdelay $0x4  }
0x3a1: {  	v7 =	vshll.u32 v6, $0x2  }
0x3a2: {  	v6 =	vand.u32 $0x7, v6;
	v7 =	vand.u32 $0xFFFFFFE0, v7  }
0x3a3: {  	v6 =	vor.u32 v6, v7  }
0x3a4: {  	v7 =	vperm.xlane v6, v1;
	_ =	sdelay $0x1  }
0x3a5: {  	v7 =	vadd.s32 v2, v7;
	_ =	sdelay $0x1  }
0x3a6: {  	v6 =	vperm.xlane v6, v3;
	_ =	sdelay $0x1  }
0x3a7: {  	s17 =	simm.s32 $0xE600;
	v6 =	vadd.s32 v2, v6  }
0x3a8: {  	[tilespmem:s17], [sflag:$0x2] =	stream.indirect_vreg.gather [hbm4b:s1+s16], $0x80, v7, vm0, $0xb8;
	[tilespmem:$0x19E00] =	vst v63  }
0x3a9: {  	s17 =	simm.s32 $0xEE00  }
0x3aa: {  	[tilespmem:s17], [sflag:$0x2] =	stream.indirect_vreg.gather [hbm4b:s5+s16], $0x80, v7, vm0, $0xb8;
	[tilespmem:$0x19E00] =	vst v63  }
0x3ab: {  	s17 =	simm.s32 $0xF600  }
0x3ac: {  	[tilespmem:s17], [sflag:$0x2] =	stream.indirect_vreg.gather [hbm4b:s1+s16], $0x80, v6, vm0, $0xb8;
	[tilespmem:$0x19E00] =	vst v63  }
0x3ad: {  	s17 =	simm.s32 $0xFE00  }
0x3ae: {  	[tilespmem:s17], [sflag:$0x2] =	stream.indirect_vreg.gather [hbm4b:s5+s16], $0x80, v6, vm0, $0xb8;
	[tilespmem:$0x19E00] =	vst v63  }
0x3af: {  	v6 =	vld [tilespmem:$0x380];
	_ =	sdelay $0x4  }
0x3b0: {  	v7 =	vshll.u32 v6, $0x2  }
0x3b1: {  	v6 =	vand.u32 $0x7, v6;
	v7 =	vand.u32 $0xFFFFFFE0, v7  }
0x3b2: {  	v6 =	vor.u32 v6, v7  }
0x3b3: {  	v7 =	vperm.xlane v6, v1;
	_ =	sdelay $0x1  }
0x3b4: {  	v7 =	vadd.s32 v2, v7;
	_ =	sdelay $0x1  }
0x3b5: {  	v6 =	vperm.xlane v6, v3;
	_ =	sdelay $0x1  }
0x3b6: {  	s0 =	simm.s32 $0x10600;
	v6 =	vadd.s32 v2, v6  }
0x3b7: {  	[tilespmem:s0], [sflag:$0x3] =	stream.indirect_vreg.gather [hbm4b:s1+s16], $0x80, v7, vm0, $0xb8;
	[tilespmem:$0x19E00] =	vst v63  }
0x3b8: {  	s17 =	simm.s32 $0x10E00  }
0x3b9: {  	[tilespmem:s17], [sflag:$0x3] =	stream.indirect_vreg.gather [hbm4b:s5+s16], $0x80, v7, vm0, $0xb8;
	[tilespmem:$0x19E00] =	vst v63  }
0x3ba: {  	s17 =	simm.s32 $0x11600  }
0x3bb: {  	[tilespmem:s17], [sflag:$0x3] =	stream.indirect_vreg.gather [hbm4b:s1+s16], $0x80, v6, vm0, $0xb8;
	[tilespmem:$0x19E00] =	vst v63  }
0x3bc: {  	s17 =	simm.s32 $0x11E00  }
0x3bd: {  	[tilespmem:s17], [sflag:$0x3] =	stream.indirect_vreg.gather [hbm4b:s5+s16], $0x80, v6, vm0, $0xb8;
	[tilespmem:$0x19E00] =	vst v63  }
0x3be: {  	v6 =	vld [tilespmem:$0x390];
	_ =	sdelay $0x4  }
0x3bf: {  	v7 =	vshll.u32 v6, $0x2  }
0x3c0: {  	v6 =	vand.u32 $0x7, v6;
	v7 =	vand.u32 $0xFFFFFFE0, v7  }
0x3c1: {  	v6 =	vor.u32 v6, v7  }
0x3c2: {  	v7 =	vperm.xlane v6, v1;
	_ =	sdelay $0x1  }
0x3c3: {  	v7 =	vadd.s32 v2, v7;
	_ =	sdelay $0x1  }
0x3c4: {  	v6 =	vperm.xlane v6, v3;
	_ =	sdelay $0x1  }
0x3c5: {  	s17 =	simm.s32 $0x12600;
	v6 =	vadd.s32 v2, v6  }
0x3c6: {  	[tilespmem:s17], [sflag:$0x3] =	stream.indirect_vreg.gather [hbm4b:s1+s16], $0x80, v7, vm0, $0xb8;
	[tilespmem:$0x19E00] =	vst v63  }
0x3c7: {  	s17 =	simm.s32 $0x12E00  }
0x3c8: {  	[tilespmem:s17], [sflag:$0x3] =	stream.indirect_vreg.gather [hbm4b:s5+s16], $0x80, v7, vm0, $0xb8;
	[tilespmem:$0x19E00] =	vst v63  }
0x3c9: {  	s17 =	simm.s32 $0x13600  }
0x3ca: {  	[tilespmem:s17], [sflag:$0x3] =	stream.indirect_vreg.gather [hbm4b:s1+s16], $0x80, v6, vm0, $0xb8;
	[tilespmem:$0x19E00] =	vst v63  }
0x3cb: {  	s17 =	simm.s32 $0x13E00  }
0x3cc: {  	[tilespmem:s17], [sflag:$0x3] =	stream.indirect_vreg.gather [hbm4b:s5+s16], $0x80, v6, vm0, $0xb8;
	[tilespmem:$0x19E00] =	vst v63  }
0x3cd: {  	v6 =	vld [tilespmem:$0x3A0];
	_ =	sdelay $0x4  }
0x3ce: {  	v7 =	vshll.u32 v6, $0x2  }
0x3cf: {  	v6 =	vand.u32 $0x7, v6;
	v7 =	vand.u32 $0xFFFFFFE0, v7  }
0x3d0: {  	v6 =	vor.u32 v6, v7  }
0x3d1: {  	v7 =	vperm.xlane v6, v1;
	_ =	sdelay $0x1  }
0x3d2: {  	v7 =	vadd.s32 v2, v7;
	_ =	sdelay $0x1  }
0x3d3: {  	v6 =	vperm.xlane v6, v3;
	_ =	sdelay $0x1  }
0x3d4: {  	s17 =	simm.s32 $0x14600;
	v6 =	vadd.s32 v2, v6  }
0x3d5: {  	[tilespmem:s17], [sflag:$0x3] =	stream.indirect_vreg.gather [hbm4b:s1+s16], $0x80, v7, vm0, $0xb8;
	[tilespmem:$0x19E00] =	vst v63  }
0x3d6: {  	s17 =	simm.s32 $0x14E00  }
0x3d7: {  	[tilespmem:s17], [sflag:$0x3] =	stream.indirect_vreg.gather [hbm4b:s5+s16], $0x80, v7, vm0, $0xb8;
	[tilespmem:$0x19E00] =	vst v63  }
0x3d8: {  	s17 =	simm.s32 $0x15600  }
0x3d9: {  	[tilespmem:s17], [sflag:$0x3] =	stream.indirect_vreg.gather [hbm4b:s1+s16], $0x80, v6, vm0, $0xb8;
	[tilespmem:$0x19E00] =	vst v63  }
0x3da: {  	s17 =	simm.s32 $0x15E00  }
0x3db: {  	[tilespmem:s17], [sflag:$0x3] =	stream.indirect_vreg.gather [hbm4b:s5+s16], $0x80, v6, vm0, $0xb8;
	[tilespmem:$0x19E00] =	vst v63  }
0x3dc: {  	v6 =	vld [tilespmem:$0x3B0];
	_ =	sdelay $0x4  }
0x3dd: {  	v7 =	vshll.u32 v6, $0x2  }
0x3de: {  	v6 =	vand.u32 $0x7, v6;
	v7 =	vand.u32 $0xFFFFFFE0, v7  }
0x3df: {  	v6 =	vor.u32 v6, v7  }
0x3e0: {  	v7 =	vperm.xlane v6, v1;
	_ =	sdelay $0x1  }
0x3e1: {  	v7 =	vadd.s32 v2, v7;
	_ =	sdelay $0x1  }
0x3e2: {  	v6 =	vperm.xlane v6, v3;
	_ =	sdelay $0x1  }
0x3e3: {  	s17 =	simm.s32 $0x16600;
	v6 =	vadd.s32 v2, v6  }
0x3e4: {  	[tilespmem:s17], [sflag:$0x3] =	stream.indirect_vreg.gather [hbm4b:s1+s16], $0x80, v7, vm0, $0xb8;
	[tilespmem:$0x19E00] =	vst v63  }
0x3e5: {  	s17 =	simm.s32 $0x16E00  }
0x3e6: {  	[tilespmem:s17], [sflag:$0x3] =	stream.indirect_vreg.gather [hbm4b:s5+s16], $0x80, v7, vm0, $0xb8;
	[tilespmem:$0x19E00] =	vst v63  }
0x3e7: {  	s17 =	simm.s32 $0x17600  }
0x3e8: {  	[tilespmem:s17], [sflag:$0x3] =	stream.indirect_vreg.gather [hbm4b:s1+s16], $0x80, v6, vm0, $0xb8;
	[tilespmem:$0x19E00] =	vst v63  }
0x3e9: {  	s17 =	simm.s32 $0x17E00  }
0x3ea: {  	[tilespmem:s17], [sflag:$0x3] =	stream.indirect_vreg.gather [hbm4b:s5+s16], $0x80, v6, vm0, $0xb8;
	[tilespmem:$0x19E00] =	vst v63  }
0x3eb: {  	_ =	swait.ge [sflag:s6], $0x8000  }
0x3ec: {  	[sflag:s6] =	ssyncset.done $0x0  }
0x3ed: {  	s15 =	simm.s32 $0x600;
	s17 =	rddreg [dreg:$0x6];
	[sflag:s6] =	ssyncadd.s32 $0xFFFF8000  }
0x3ee: {  	[hbm4b:s17+s16] =	stream.linear.scatter [tilespmem:s15], [sflag:$0x4], $0x8000, $0x38;
	[tilespmem:$0x19E00] =	vst v63  }
0x3ef: {  	_ =	swait.ge [sflag:s7], $0x8000  }
0x3f0: {  	[sflag:s7] =	ssyncset.done $0x0  }
0x3f1: {  	s9 =	simm.s32 $0x8600;
	s17 =	rddreg [dreg:$0x7];
	[sflag:s7] =	ssyncadd.s32 $0xFFFF8000  }
0x3f2: {  	[hbm4b:s17+s16] =	stream.linear.scatter [tilespmem:s9], [sflag:$0x5], $0x8000, $0x38;
	[tilespmem:$0x19E00] =	vst v63  }
0x3f3: {  	_ =	swait.ge [sflag:s8], $0x8000  }
0x3f4: {  	[sflag:s8] =	ssyncset.done $0x0  }
0x3f5: {  	[sflag:s8] =	ssyncadd.s32 $0xFFFF8000  }
0x3f6: {  	v6 =	vld [tilespmem:$0x3C0];
	_ =	sdelay $0x4  }
0x3f7: {  	v7 =	vshll.u32 v6, $0x2  }
0x3f8: {  	v6 =	vand.u32 $0x7, v6;
	v7 =	vand.u32 $0xFFFFFFE0, v7  }
0x3f9: {  	v6 =	vor.u32 v6, v7  }
0x3fa: {  	v7 =	vperm.xlane v6, v1;
	_ =	sdelay $0x1  }
0x3fb: {  	v7 =	vadd.s32 v2, v7;
	_ =	sdelay $0x1  }
0x3fc: {  	v6 =	vperm.xlane v6, v3;
	_ =	sdelay $0x1  }
0x3fd: {  	v6 =	vadd.s32 v2, v6  }
0x3fe: {  	[tilespmem:s15], [sflag:$0x1] =	stream.indirect_vreg.gather [hbm4b:s1+s16], $0x80, v7, vm0, $0xb8;
	[tilespmem:$0x19E00] =	vst v63  }
0x3ff: {  	_ = 	snop  }
0x400: {  	[tilespmem:s18], [sflag:$0x1] =	stream.indirect_vreg.gather [hbm4b:s5+s16], $0x80, v7, vm0, $0xb8;
	[tilespmem:$0x19E00] =	vst v63  }
0x401: {  	_ = 	snop  }
0x402: {  	[tilespmem:s19], [sflag:$0x1] =	stream.indirect_vreg.gather [hbm4b:s1+s16], $0x80, v6, vm0, $0xb8;
	[tilespmem:$0x19E00] =	vst v63  }
0x403: {  	_ = 	snop  }
0x404: {  	[tilespmem:s20], [sflag:$0x1] =	stream.indirect_vreg.gather [hbm4b:s5+s16], $0x80, v6, vm0, $0xb8;
	[tilespmem:$0x19E00] =	vst v63  }
0x405: {  	v6 =	vld [tilespmem:$0x3D0];
	_ =	sdelay $0x4  }
0x406: {  	v7 =	vshll.u32 v6, $0x2  }
0x407: {  	v6 =	vand.u32 $0x7, v6;
	v7 =	vand.u32 $0xFFFFFFE0, v7  }
0x408: {  	v6 =	vor.u32 v6, v7  }
0x409: {  	v7 =	vperm.xlane v6, v1;
	_ =	sdelay $0x1  }
0x40a: {  	v7 =	vadd.s32 v2, v7;
	_ =	sdelay $0x1  }
0x40b: {  	v6 =	vperm.xlane v6, v3;
	_ =	sdelay $0x1  }
0x40c: {  	v6 =	vadd.s32 v2, v6  }
0x40d: {  	[tilespmem:s21], [sflag:$0x1] =	stream.indirect_vreg.gather [hbm4b:s1+s16], $0x80, v7, vm0, $0xb8;
	[tilespmem:$0x19E00] =	vst v63  }
0x40e: {  	_ = 	snop  }
0x40f: {  	[tilespmem:s22], [sflag:$0x1] =	stream.indirect_vreg.gather [hbm4b:s5+s16], $0x80, v7, vm0, $0xb8;
	[tilespmem:$0x19E00] =	vst v63  }
0x410: {  	_ = 	snop  }
0x411: {  	[tilespmem:s23], [sflag:$0x1] =	stream.indirect_vreg.gather [hbm4b:s1+s16], $0x80, v6, vm0, $0xb8;
	[tilespmem:$0x19E00] =	vst v63  }
0x412: {  	_ = 	snop  }
0x413: {  	[tilespmem:s24], [sflag:$0x1] =	stream.indirect_vreg.gather [hbm4b:s5+s16], $0x80, v6, vm0, $0xb8;
	[tilespmem:$0x19E00] =	vst v63  }
0x414: {  	v6 =	vld [tilespmem:$0x3E0];
	_ =	sdelay $0x4  }
0x415: {  	v7 =	vshll.u32 v6, $0x2  }
0x416: {  	v6 =	vand.u32 $0x7, v6;
	v7 =	vand.u32 $0xFFFFFFE0, v7  }
0x417: {  	v6 =	vor.u32 v6, v7  }
0x418: {  	v7 =	vperm.xlane v6, v1;
	_ =	sdelay $0x1  }
0x419: {  	v7 =	vadd.s32 v2, v7;
	_ =	sdelay $0x1  }
0x41a: {  	v6 =	vperm.xlane v6, v3;
	_ =	sdelay $0x1  }
0x41b: {  	v6 =	vadd.s32 v2, v6  }
0x41c: {  	[tilespmem:s25], [sflag:$0x1] =	stream.indirect_vreg.gather [hbm4b:s1+s16], $0x80, v7, vm0, $0xb8;
	[tilespmem:$0x19E00] =	vst v63  }
0x41d: {  	_ = 	snop  }
0x41e: {  	[tilespmem:s29], [sflag:$0x1] =	stream.indirect_vreg.gather [hbm4b:s5+s16], $0x80, v7, vm0, $0xb8;
	[tilespmem:$0x19E00] =	vst v63  }
0x41f: {  	_ = 	snop  }
0x420: {  	[tilespmem:s30], [sflag:$0x1] =	stream.indirect_vreg.gather [hbm4b:s1+s16], $0x80, v6, vm0, $0xb8;
	[tilespmem:$0x19E00] =	vst v63  }
0x421: {  	_ = 	snop  }
0x422: {  	[tilespmem:s31], [sflag:$0x1] =	stream.indirect_vreg.gather [hbm4b:s5+s16], $0x80, v6, vm0, $0xb8;
	[tilespmem:$0x19E00] =	vst v63  }
0x423: {  	v6 =	vld [tilespmem:$0x3F0];
	_ =	sdelay $0x4  }
0x424: {  	v7 =	vshll.u32 v6, $0x2  }
0x425: {  	v6 =	vand.u32 $0x7, v6;
	v7 =	vand.u32 $0xFFFFFFE0, v7  }
0x426: {  	v6 =	vor.u32 v6, v7  }
0x427: {  	v7 =	vperm.xlane v6, v1;
	_ =	sdelay $0x1  }
0x428: {  	v7 =	vadd.s32 v2, v7;
	_ =	sdelay $0x1  }
0x429: {  	v6 =	vperm.xlane v6, v3;
	_ =	sdelay $0x1  }
0x42a: {  	v6 =	vadd.s32 v2, v6  }
0x42b: {  	[tilespmem:s11], [sflag:$0x1] =	stream.indirect_vreg.gather [hbm4b:s1+s16], $0x80, v7, vm0, $0xb8;
	[tilespmem:$0x19E00] =	vst v63  }
0x42c: {  	_ = 	snop  }
0x42d: {  	[tilespmem:s2], [sflag:$0x1] =	stream.indirect_vreg.gather [hbm4b:s5+s16], $0x80, v7, vm0, $0xb8;
	[tilespmem:$0x19E00] =	vst v63  }
0x42e: {  	_ = 	snop  }
0x42f: {  	[tilespmem:s4], [sflag:$0x1] =	stream.indirect_vreg.gather [hbm4b:s1+s16], $0x80, v6, vm0, $0xb8;
	[tilespmem:$0x19E00] =	vst v63  }
0x430: {  	s24 =	simm.s32 $0x3  }
0x431: {  	[tilespmem:s26], [sflag:$0x1] =	stream.indirect_vreg.gather [hbm4b:s5+s16], $0x80, v6, vm0, $0xb8;
	[tilespmem:$0x19E00] =	vst v63  }
0x432: {  	_ =	swait.ge [sflag:s24], $0x8000  }
0x433: {  	[sflag:s24] =	ssyncset.done $0x0  }
0x434: {  	s25 =	rddreg [dreg:$0x8];
	[sflag:s24] =	ssyncadd.s32 $0xFFFF8000  }
0x435: {  	[hbm4b:s25+s16] =	stream.linear.scatter [tilespmem:s0], [sflag:$0x6], $0x8000, $0x38;
	[tilespmem:$0x19E00] =	vst v63  }
0x436: {  	_ =	swait.ge [sflag:s10], $0x8000  }
0x437: {  	[sflag:s10] =	ssyncset.done $0x0  }
0x438: {  	[sflag:s10] =	ssyncadd.s32 $0xFFFF8000  }
0x439: {  	v6 =	vld [tilespmem:$0x400];
	_ =	sdelay $0x4  }
0x43a: {  	v7 =	vshll.u32 v6, $0x2  }
0x43b: {  	v6 =	vand.u32 $0x7, v6;
	v7 =	vand.u32 $0xFFFFFFE0, v7  }
0x43c: {  	v6 =	vor.u32 v6, v7  }
0x43d: {  	v7 =	vperm.xlane v6, v1;
	_ =	sdelay $0x1  }
0x43e: {  	v7 =	vadd.s32 v2, v7;
	_ =	sdelay $0x1  }
0x43f: {  	v6 =	vperm.xlane v6, v3;
	_ =	sdelay $0x1  }
0x440: {  	s15 =	simm.s32 $0x8600;
	v6 =	vadd.s32 v2, v6  }
0x441: {  	[tilespmem:s15], [sflag:$0x2] =	stream.indirect_vreg.gather [hbm4b:s1+s16], $0x80, v7, vm0, $0xb8;
	[tilespmem:$0x19E00] =	vst v63  }
0x442: {  	_ = 	snop  }
0x443: {  	[tilespmem:s28], [sflag:$0x2] =	stream.indirect_vreg.gather [hbm4b:s5+s16], $0x80, v7, vm0, $0xb8;
	[tilespmem:$0x19E00] =	vst v63  }
0x444: {  	s26 =	simm.s32 $0x9600  }
0x445: {  	[tilespmem:s26], [sflag:$0x2] =	stream.indirect_vreg.gather [hbm4b:s1+s16], $0x80, v6, vm0, $0xb8;
	[tilespmem:$0x19E00] =	vst v63  }
0x446: {  	s29 =	simm.s32 $0x9E00  }
0x447: {  	[tilespmem:s29], [sflag:$0x2] =	stream.indirect_vreg.gather [hbm4b:s5+s16], $0x80, v6, vm0, $0xb8;
	[tilespmem:$0x19E00] =	vst v63  }
0x448: {  	v6 =	vld [tilespmem:$0x410];
	_ =	sdelay $0x4  }
0x449: {  	v7 =	vshll.u32 v6, $0x2  }
0x44a: {  	v6 =	vand.u32 $0x7, v6;
	v7 =	vand.u32 $0xFFFFFFE0, v7  }
0x44b: {  	v6 =	vor.u32 v6, v7  }
0x44c: {  	v7 =	vperm.xlane v6, v1;
	_ =	sdelay $0x1  }
0x44d: {  	v7 =	vadd.s32 v2, v7;
	_ =	sdelay $0x1  }
0x44e: {  	v6 =	vperm.xlane v6, v3;
	_ =	sdelay $0x1  }
0x44f: {  	s30 =	simm.s32 $0xA600;
	v6 =	vadd.s32 v2, v6  }
0x450: {  	[tilespmem:s30], [sflag:$0x2] =	stream.indirect_vreg.gather [hbm4b:s1+s16], $0x80, v7, vm0, $0xb8;
	[tilespmem:$0x19E00] =	vst v63  }
0x451: {  	s31 =	simm.s32 $0xAE00  }
0x452: {  	[tilespmem:s31], [sflag:$0x2] =	stream.indirect_vreg.gather [hbm4b:s5+s16], $0x80, v7, vm0, $0xb8;
	[tilespmem:$0x19E00] =	vst v63  }
0x453: {  	s2 =	simm.s32 $0xB600  }
0x454: {  	[tilespmem:s2], [sflag:$0x2] =	stream.indirect_vreg.gather [hbm4b:s1+s16], $0x80, v6, vm0, $0xb8;
	[tilespmem:$0x19E00] =	vst v63  }
0x455: {  	s4 =	simm.s32 $0xBE00  }
0x456: {  	[tilespmem:s4], [sflag:$0x2] =	stream.indirect_vreg.gather [hbm4b:s5+s16], $0x80, v6, vm0, $0xb8;
	[tilespmem:$0x19E00] =	vst v63  }
0x457: {  	v6 =	vld [tilespmem:$0x420];
	_ =	sdelay $0x4  }
0x458: {  	v7 =	vshll.u32 v6, $0x2  }
0x459: {  	v6 =	vand.u32 $0x7, v6;
	v7 =	vand.u32 $0xFFFFFFE0, v7  }
0x45a: {  	v6 =	vor.u32 v6, v7  }
0x45b: {  	v7 =	vperm.xlane v6, v1;
	_ =	sdelay $0x1  }
0x45c: {  	v7 =	vadd.s32 v2, v7;
	_ =	sdelay $0x1  }
0x45d: {  	v6 =	vperm.xlane v6, v3;
	_ =	sdelay $0x1  }
0x45e: {  	s9 =	simm.s32 $0xC600;
	v6 =	vadd.s32 v2, v6  }
0x45f: {  	[tilespmem:s9], [sflag:$0x2] =	stream.indirect_vreg.gather [hbm4b:s1+s16], $0x80, v7, vm0, $0xb8;
	[tilespmem:$0x19E00] =	vst v63  }
0x460: {  	s11 =	simm.s32 $0xCE00  }
0x461: {  	[tilespmem:s11], [sflag:$0x2] =	stream.indirect_vreg.gather [hbm4b:s5+s16], $0x80, v7, vm0, $0xb8;
	[tilespmem:$0x19E00] =	vst v63  }
0x462: {  	s17 =	simm.s32 $0xD600  }
0x463: {  	[tilespmem:s17], [sflag:$0x2] =	stream.indirect_vreg.gather [hbm4b:s1+s16], $0x80, v6, vm0, $0xb8;
	[tilespmem:$0x19E00] =	vst v63  }
0x464: {  	s18 =	simm.s32 $0xDE00  }
0x465: {  	[tilespmem:s18], [sflag:$0x2] =	stream.indirect_vreg.gather [hbm4b:s5+s16], $0x80, v6, vm0, $0xb8;
	[tilespmem:$0x19E00] =	vst v63  }
0x466: {  	v6 =	vld [tilespmem:$0x430];
	_ =	sdelay $0x4  }
0x467: {  	v7 =	vshll.u32 v6, $0x2  }
0x468: {  	v6 =	vand.u32 $0x7, v6;
	v7 =	vand.u32 $0xFFFFFFE0, v7  }
0x469: {  	v6 =	vor.u32 v6, v7  }
0x46a: {  	v7 =	vperm.xlane v6, v1;
	_ =	sdelay $0x1  }
0x46b: {  	v7 =	vadd.s32 v2, v7;
	_ =	sdelay $0x1  }
0x46c: {  	v6 =	vperm.xlane v6, v3;
	_ =	sdelay $0x1  }
0x46d: {  	s19 =	simm.s32 $0xE600;
	v6 =	vadd.s32 v2, v6  }
0x46e: {  	[tilespmem:s19], [sflag:$0x2] =	stream.indirect_vreg.gather [hbm4b:s1+s16], $0x80, v7, vm0, $0xb8;
	[tilespmem:$0x19E00] =	vst v63  }
0x46f: {  	s20 =	simm.s32 $0xEE00  }
0x470: {  	[tilespmem:s20], [sflag:$0x2] =	stream.indirect_vreg.gather [hbm4b:s5+s16], $0x80, v7, vm0, $0xb8;
	[tilespmem:$0x19E00] =	vst v63  }
0x471: {  	s21 =	simm.s32 $0xF600  }
0x472: {  	[tilespmem:s21], [sflag:$0x2] =	stream.indirect_vreg.gather [hbm4b:s1+s16], $0x80, v6, vm0, $0xb8;
	[tilespmem:$0x19E00] =	vst v63  }
0x473: {  	s22 =	simm.s32 $0xFE00  }
0x474: {  	[tilespmem:s22], [sflag:$0x2] =	stream.indirect_vreg.gather [hbm4b:s5+s16], $0x80, v6, vm0, $0xb8;
	[tilespmem:$0x19E00] =	vst v63  }
0x475: {  	_ =	swait.ge [sflag:s6], $0x8000  }
0x476: {  	[sflag:s6] =	ssyncset.done $0x0  }
0x477: {  	s28 =	simm.s32 $0x600;
	s23 =	rddreg [dreg:$0x16];
	[sflag:s6] =	ssyncadd.s32 $0xFFFF8000  }
0x478: {  	[hbm4b:s23+s16] =	stream.linear.scatter [tilespmem:s28], [sflag:$0x4], $0x8000, $0x38;
	[tilespmem:$0x19E00] =	vst v63  }
0x479: {  	_ =	swait.ge [sflag:s7], $0x8000  }
0x47a: {  	[sflag:s7] =	ssyncset.done $0x0  }
0x47b: {  	s25 =	simm.s32 $0x6;
	s24 =	rddreg [dreg:$0x17];
	[sflag:s7] =	ssyncadd.s32 $0xFFFF8000  }
0x47c: {  	[hbm4b:s24+s16] =	stream.linear.scatter [tilespmem:s15], [sflag:$0x5], $0x8000, $0x38;
	[tilespmem:$0x19E00] =	vst v63  }
0x47d: {  	_ =	swait.ge [sflag:s25], $0x8000  }
0x47e: {  	[sflag:s25] =	ssyncset.done $0x0  }
0x47f: {  	[sflag:s25] =	ssyncadd.s32 $0xFFFF8000  }
0x480: {  	_ =	swait.ge [sflag:s8], $0x8000  }
0x481: {  	[sflag:s8] =	ssyncset.done $0x0  }
0x482: {  	[sflag:s8] =	ssyncadd.s32 $0xFFFF8000  }
0x483: {  	_ =	swait.ge [sflag:s10], $0x8000  }
0x484: {  	s29 =	simm.s32 $0x80;
	s30 =	simm.s32 $0x400;
	[sflag:s10] =	ssyncset.done $0x0  }
0x485: {  	s31 =	simm.s32 $0x19600;
	s26 =	rddreg [dreg:$0x18];
	[sflag:s10] =	ssyncadd.s32 $0xFFFF8000  }
0x486: {  	[tilespmem:s31], [sflag:$0x7] =	stream.strided.gather [hbm4b:s26+s29], $0x400, s30, s29, $0x38;
	[tilespmem:$0x19E00] =	vst v63  }
0x487: {  	s26 =	simm.s32 $0x7  }
0x488: {  	_ =	swait.ge [sflag:s26], $0x400  }
0x489: {  	[sflag:s26] =	ssyncset.done $0x0  }
0x48a: {  	s17 =	simm.s32 $0x0;
	[sflag:s26] =	ssyncadd.s32 $0xFFFFFC00  }
.LBB2_8:
0x48b: {  	p1 =	sne.s32 s17, $0x3FC0  }
.Ltmp6:
0x48c: {  	_ = 	snop;
	(pc) =	sbr.rel @p1 .LBB2_8-.Ltmp6, $3  }
0x48d: {  	_ =	sdelay $0x1  }
0x48e: {  	s18 =	sshra.s32 s17, $0x2  }
0x48f: {  	s17 =	sadd.s32 $0x40, s17;
	[tilespmem:s18+$0x18600] =	vst v4  }
0x490: {  	s17 =	simm.s32 $0x19600  }
.LBB2_10:
0x491: {  	v6 =	vld [tilespmem:s17+$0x0];
	_ =	sdelay $0x4  }
0x492: {  	v7 =	vshra.s32 v6, $0x1F  }
0x493: {  	v8 =	vand.u32 $0xFF, v6;
	vm1 =	vlt.s32 v6, $0x1;
	v7 =	vshrl.u32 v7, $0x18  }
0x494: {  	vm2 =	vne.s32 v8, $0x0;
	v7 =	vadd.s32 v7, v6;
	v6 =	vshll.u32 v6, $0x4  }
0x495: {  	vm1 =	vmand vm1, vm2;
	v6 =	vand.u32 $0xFF0, v6;
	v7 =	vshra.s32 v7, $0x8  }
0x496: {  	v63 =	vsel vm1, $0xFFFFFFFF, v5;
	v6 =	vadd.s32 v7, v6  }
0x497: {  	p1 =	sne.s32 s16, $0x3F0;
	v6 =	vadd.s32 v63, v6  }
.Ltmp7:
0x498: {  	_ = 	snop;
	(pc) =	sbr.rel @p1 .LBB2_10-.Ltmp7, $3  }
0x499: {  	_ =	sdelay $0x1  }
0x49a: {  	v7 =	vor.u32 s16, v0  }
0x49b: {  	s17 =	sadd.s32 $0x10, s17;
	s16 =	sadd.s32 $0x10, s16;
	[tilespmem:v6+s12+$0x0] =	vst.idx.msk $0xffff, v7  }
0x49c: {  	s17 =	simm.s32 $0x0  }
0x49d: {  	v7 =	vld [tilespmem:s17+$0x18600]  }
0x49e: {  	v6 =	vimm.s32 $0x0;
	s16 =	simm.s32 $0x40  }
.LBB2_12:
0x49f: {  	p1 =	sne.s32 s16, $0x3FC0  }
.Ltmp8:
0x4a0: {  	_ = 	snop;
	(pc) =	sbr.rel @p1 .LBB2_12-.Ltmp8, $4  }
0x4a1: {  	_ = 	snop  }
0x4a2: {  	s17 =	sshra.s32 s16, $0x2;
	s16 =	sadd.s32 $0x40, s16;
	vm1 =	vgt.s32 v7, $0xFFFFFFFF  }
0x4a3: {  	v7 =	vld [tilespmem:s17+$0x18600];
	v8 =	vsel vm1, $0x1, v5  }
0x4a4: {  	v6 =	vadd.s32 v8, v6  }
0x4a5: {  	_ =	sdelay $0x2  }
0x4a6: {  	vm1 =	vgt.s32 v7, $0xFFFFFFFF  }
0x4a7: {  	v7 =	vsel vm1, $0x1, v5  }
0x4a8: {  	v6 =	vadd.s32 v7, v6  }
0x4a9: {  	(xrf0) =	vadd.scan.msk.s32 $0xffff, v6;
	_ =	sdelay $0x5  }
0x4aa: {  	v7, _, _ =	vpop (xrf0)  }
0x4ab: {  	v6 =	vsub.s32 v7, v6  }
0x4ac: {  	s17 =	simm.s32 $0x0;
	s16 =	simm.s32 $0x40;
	v7 =	vmov v6  }
.LBB2_14:
0x4ad: {  	p1 =	sne.s32 s16, $0x3FC0;
	v8 =	vld [tilespmem:s17+$0x18600];
	_ =	sdelay $0x4  }
0x4ae: {  	vm1 =	vgt.s32 v8, $0xFFFFFFFF  }
0x4af: {  	v9 =	vsel vm1, $0x1, v5  }
.Ltmp9:
0x4b0: {  	v6 =	vadd.s32 v9, v6;
	(pc) =	sbr.rel @p1 .LBB2_14-.Ltmp9, $2  }
0x4b1: {  	_ =	sdelay $0x2  }
0x4b2: {  	s17 =	sshra.s32 s16, $0x2;
	s16 =	sadd.s32 $0x40, s16;
	[tilespmem:v7+s13+$0x0] =	vst.idx.msk vm1, v8;
	v7 =	vmov v6  }
.Ltmp10:
0x4b3: {  	_ = 	snop;
	(pc) =	sbr.rel .LBB2_15-.Ltmp10, $1  }
0x4b4: {  	_ =	sdelay $0x3  }
.LBB2_17:
0x4b5: {  	_ =	sfence.sel $0x180000  }
0x4b6: {  	[bflag:$0x0] =	sbarrier.arrive $0xFFFF  }
0x4b7: {  	_ =	strace $0x90000047  }
0x4b8: {  	s0 =	stileid.u32;
	[bflag:$0x2] =	sbarrier.arrive $0xFFFF  }
0x4b9: {  	p0 =	sne.s32 s0, $0x0;
	s0 =	rddreg [dreg:$0x4]  }
0x4ba: {  	s0 =	sadd.s32 @!p0 $0x100000, s0  }
0x4bb: {  	[sflag:s0] =	ssyncadd.tile.s32 @!p0 $0x1;
	_ =	shalt  }
.Lfunc_end2:
_tile_overlayer_lowered:
.L_overlay_start_2:
0x4bc: {  	(tag) =	ssettag $0x2  }
0x4bd: {  	s0 =	rddreg [dreg:$0x0];
	s2 =	stileid.u32  }
0x4be: {  	s1 =	rddreg [dreg:$0x1];
	p0 =	sne.s32 s2, $0x0  }
0x4bf: {  	s3 =	rddreg [dreg:$0x2];
	[bflag:$0x3] =	sbarrier.arrive $0xFFFF;
	s2 =	simm.s32 @!p0 $0x1C07  }
0x4c0: {  	[timem:s3], [sflag:s2] =	dma.local @!p0 [hbm:s0], s1  }
0x4c1: {  	s0 =	simm.s32 @!p0 $0x7  }
0x4c2: {  	_ =	swait.ge @!p0 [sflag:s0], s1  }
0x4c3: {  	s1 =	ssub.s32 @!p0 $0x0, s1;
	[sflag:s0] =	ssyncset.done @!p0 $0x0  }
0x4c4: {  	[sflag:s0] =	ssyncadd.s32 @!p0 s1  }
0x4c5: {  	[bflag:$0x3] =	sbarrier.arrive $0xFFFF  }
0x4c6: {  	_ =	shalt  }

</sc_bundles>
